<compile_context>
chip_gen: v7x
topology: tpu7x:2x2x1
jax: 0.10.2.dev20260603
libtpu: 0.0.44.dev20260713+nightly
codegen_flags: <defaults>
</compile_context>

<pallas_src>
import functools

import jax
import jax.numpy as jnp
from jax import lax
from jax.experimental import pallas as pl
from jax.experimental.pallas import tpu as pltpu
from jax.experimental.pallas import tpu_sc as plsc

D_PROJ = 128
SCALE = float(D_PROJ) ** 0.5

R0, N0 = 10000, 20000
R1, N1 = 16000, 80000
R2, N2 = 16384, 901120
S1 = 32000
S2 = 114688
NTAB = S2 + N2

T = 4096 * 200
CHUNK = 128
NBUF = 5
LEAD = 4


def _region_call(body, grid, in_specs, out_spec, table=None, extra=()):
    kwargs = {}
    ins = ()
    if table is not None:
        ins = (table,)
        in_specs = [pl.BlockSpec(memory_space=pl.ANY)] + in_specs
        kwargs["input_output_aliases"] = {0: 0}
    return pl.pallas_call(
        body,
        grid=(grid,),
        in_specs=in_specs,
        out_specs=out_spec,
        out_shape=jax.ShapeDtypeStruct((NTAB, D_PROJ), jnp.float32),
        **kwargs,
    )(*ins, *extra)


def _mm(e_ref, p_ref, out_ref, cdim):
    out_ref[...] = lax.dot_general(
        e_ref[...], p_ref[...],
        dimension_numbers=(((cdim,), (0,)), ((), ())),
        preferred_element_type=jnp.float32,
    )


def _body0(e_ref, p_ref, out_ref):
    _mm(e_ref, p_ref, out_ref, 1)


def _body12(tab_ref, e_ref, p_ref, out_ref):
    del tab_ref
    _mm(e_ref, p_ref, out_ref, 0)


def _build_table(emb0, emb1, emb2, proj0, proj1, proj2):
    p0t = SCALE * proj0.T
    p1t = SCALE * proj1.T
    p2t = SCALE * proj2.T
    emb1t = emb1.T
    emb2t = emb2.T

    tab = _region_call(
        _body0, N0 // R0,
        [pl.BlockSpec((R0, 128), lambda g: (g, 0)),
         pl.BlockSpec((128, 128), lambda g: (0, 0))],
        pl.BlockSpec((R0, D_PROJ), lambda g: (g, 0)),
        extra=(emb0, p0t))
    tab = _region_call(
        _body12, N1 // R1,
        [pl.BlockSpec((32, R1), lambda g: (0, g)),
         pl.BlockSpec((32, 128), lambda g: (0, 0))],
        pl.BlockSpec((R1, D_PROJ), lambda g: (S1 // R1 + g, 0)),
        table=tab, extra=(emb1t, p1t))
    tab = _region_call(
        _body12, N2 // R2,
        [pl.BlockSpec((8, R2), lambda g: (0, g)),
         pl.BlockSpec((8, 128), lambda g: (0, 0))],
        pl.BlockSpec((R2, D_PROJ), lambda g: (S2 // R2 + g, 0)),
        table=tab, extra=(emb2t, p2t))
    return tab


def _make_gather():
    info = plsc.get_sparse_core_info()
    nw = info.num_cores * info.num_subcores
    tpw = T // nw
    nchunk = tpw // CHUNK

    mesh = plsc.VectorSubcoreMesh(core_axis_name="c", subcore_axis_name="s")

    @functools.partial(
        pl.kernel,
        mesh=mesh,
        out_type=jax.ShapeDtypeStruct((T, D_PROJ), jnp.float32),
        scratch_types=(
            [pltpu.VMEM((nchunk, CHUNK), jnp.int32)]
            + [pltpu.VMEM((CHUNK, D_PROJ), jnp.float32) for _ in range(NBUF)]
            + [pltpu.SemaphoreType.DMA for _ in range(2 * NBUF)]
        ),
    )
    def gather_kernel(p_hbm, idx_hbm, out_hbm, idx_v, *bufs_and_sems):
        rows = bufs_and_sems[:NBUF]
        sems_g = bufs_and_sems[NBUF:2 * NBUF]
        sems_s = bufs_and_sems[2 * NBUF:]
        wid = lax.axis_index("s") * info.num_cores + lax.axis_index("c")
        base = wid * tpw
        pltpu.sync_copy(idx_hbm.at[wid], idx_v)

        def drain_scatter(sem):
            pltpu.make_async_copy(
                rows[0], out_hbm.at[pl.ds(base, CHUNK)], sem).wait()

        def body(g, carry):
            @pl.when(g < nchunk)
            def _():
                for b in range(NBUF):
                    @pl.when(g % NBUF == b)
                    def _(b=b):
                        @pl.when(g >= NBUF)
                        def _():
                            drain_scatter(sems_s[b])
                        pltpu.async_copy(p_hbm.at[idx_v.at[g]], rows[b], sems_g[b])

            @pl.when(g >= LEAD)
            def _():
                gp = g - LEAD
                for b in range(NBUF):
                    @pl.when(gp % NBUF == b)
                    def _(b=b, gp=gp):
                        pltpu.make_async_copy(
                            p_hbm.at[idx_v.at[gp]], rows[b], sems_g[b]).wait()
                        pltpu.async_copy(
                            rows[b], out_hbm.at[pl.ds(base + gp * CHUNK, CHUNK)],
                            sems_s[b])
            return carry

        lax.fori_loop(0, nchunk + LEAD, body, 0)
        for b in range(NBUF):
            drain_scatter(sems_s[b])

    return gather_kernel, nw, nchunk


def kernel(inp, emb0, emb1, emb2, proj0, proj1, proj2):
    gather_kernel, nw, nchunk = _make_gather()
    table = _build_table(emb0, emb1, emb2, proj0, proj1, proj2)
    tok = inp.reshape(-1).astype(jnp.int32)
    idx = tok + jnp.where(tok >= 100000, S2 - 100000,
                          jnp.where(tok >= 20000, S1 - 20000, 0)).astype(jnp.int32)
    out = gather_kernel(table, idx.reshape(nw, nchunk, CHUNK))
    return out.reshape(inp.shape + (D_PROJ,))

# --- scband reference (transcript-rebuilt; emitter-appended) ---
"""Pipeline reference for scband-adaptive-embedding-87050397155810 (READ-ONLY COPY).

The authoritative reference and input builder live on the scoring server;
editing this copy changes nothing except your own understanding.
"""

import jax, jax.numpy as jnp
import numpy as np

N_TOKEN = 1000000
D_EMBED = 128
D_PROJ = 128
CUTOFFS = [0, 20000, 100000, N_TOKEN]
DIV_VAL = 4


def setup_inputs(seed: int = 0) -> dict:
    key = jax.random.key(seed)
    k_inp, k0, k1, k2, kp0, kp1, kp2 = jax.random.split(key, 7)
    inp = jax.random.randint(k_inp, (4096, 200), 0, N_TOKEN, dtype=jnp.int64)
    out = {"inp": inp}
    tkeys = [k0, k1, k2]
    pkeys = [kp0, kp1, kp2]
    for i in range(len(CUTOFFS) - 1):
        size_i = CUTOFFS[i + 1] - CUTOFFS[i]
        d_i = D_EMBED // (DIV_VAL ** i)
        out[f"emb{i}"] = jax.random.normal(tkeys[i], (size_i, d_i), dtype=jnp.float32) * 0.02
        # nn.Linear(d_i, D_PROJ, bias=False) weight has shape [D_PROJ, d_i]
        out[f"proj{i}"] = jax.random.normal(pkeys[i], (D_PROJ, d_i), dtype=jnp.float32) * (1.0 / np.sqrt(d_i))
    return out


def reference(inp, emb0, emb1, emb2, proj0, proj1, proj2):
    emb_scale = D_PROJ ** 0.5
    tables = [emb0, emb1, emb2]
    projs = [proj0, proj1, proj2]
    inp_flat = inp.reshape(-1)
    embed_flat = jnp.zeros((inp_flat.shape[0], D_PROJ), dtype=jnp.float32)
    for i in range(len(CUTOFFS) - 1):
        start_inc, end_exc = CUTOFFS[i], CUTOFFS[i + 1]
        mask_i = (inp_flat >= start_inc) & (inp_flat < end_exc)
        # clip to keep gathers in-range; masked out afterwards (math identical to index_select/index_copy)
        idx_i = jnp.clip(inp_flat - start_inc, 0, end_exc - start_inc - 1)
        embed_i = jnp.take(tables[i], idx_i, axis=0)  # gather [T, d_i]
        proj_i = embed_i @ projs[i].T  # [T, D_PROJ]
        embed_flat = jnp.where(mask_i[:, None], proj_i, embed_flat)
    embed = embed_flat.reshape(inp.shape + (D_PROJ,))
    embed = embed * emb_scale
    return embed

if __name__ == "__main__":
    import jax
    _d = setup_inputs()
    print(jax.jit(kernel)(*tuple(_d.values())))

</pallas_src>

<mosaic_0001>
#map = affine_map<(d0, d1) -> (0, 0)>
#map1 = affine_map<(d0, d1) -> (0, 0, 0)>
module attributes {stable_mosaic.version = 14 : i64} {
  func.func @gather_kernel(%arg0: i32, %arg1: i32, %arg2: memref<1015808x128xf32, #tpu.memory_space<hbm>>, %arg3: memref<32x200x128xi32, #tpu.memory_space<hbm>>, %arg4: memref<819200x128xf32, #tpu.memory_space<hbm>>, %arg5: memref<200x128xi32, #tpu.memory_space<vmem>>, %arg6: memref<128x128xf32, #tpu.memory_space<vmem>>, %arg7: memref<128x128xf32, #tpu.memory_space<vmem>>, %arg8: memref<128x128xf32, #tpu.memory_space<vmem>>, %arg9: memref<128x128xf32, #tpu.memory_space<vmem>>, %arg10: memref<128x128xf32, #tpu.memory_space<vmem>>, %arg11: memref<!tpu.dma_semaphore, #tpu.memory_space<semaphore_mem>>, %arg12: memref<!tpu.dma_semaphore, #tpu.memory_space<semaphore_mem>>, %arg13: memref<!tpu.dma_semaphore, #tpu.memory_space<semaphore_mem>>, %arg14: memref<!tpu.dma_semaphore, #tpu.memory_space<semaphore_mem>>, %arg15: memref<!tpu.dma_semaphore, #tpu.memory_space<semaphore_mem>>, %arg16: memref<!tpu.dma_semaphore, #tpu.memory_space<semaphore_mem>>, %arg17: memref<!tpu.dma_semaphore, #tpu.memory_space<semaphore_mem>>, %arg18: memref<!tpu.dma_semaphore, #tpu.memory_space<semaphore_mem>>, %arg19: memref<!tpu.dma_semaphore, #tpu.memory_space<semaphore_mem>>, %arg20: memref<!tpu.dma_semaphore, #tpu.memory_space<semaphore_mem>>) attributes {dimension_semantics = [#tpu.dimension_semantics<core_parallel>, #tpu.dimension_semantics<subcore_parallel>], iteration_bounds = array<i64: 2, 16>, scalar_prefetch = 0 : i64, scratch_operands = 16 : i64, tpu.core_type = #tpu.core_type<sc_vector_subcore>, window_params = [{transform_indices = #map}, {transform_indices = #map1}, {transform_indices = #map}]} {
    %mul3A = arith.constant 2 : i32
    %mul3A_0 = arith.muli %arg1, %mul3A : i32
    %add3A = arith.addi %mul3A_0, %arg0 : i32
    %mul3A_1 = arith.constant 25600 : i32
    %mul3A_2 = arith.muli %add3A, %mul3A_1 : i32
    "tpu.region"() ({
      %run_scoped3A = tpu.sem_alloc : memref<!tpu.dma_semaphore, #tpu.memory_space<semaphore_mem>>
      %dma_start3A = arith.constant 0 : i32
      %dma_start3A_27 = arith.constant 0 : i32
      %dma_start3A_28 = tpu.memref_slice %arg3[%add3A, %dma_start3A, %dma_start3A_27] : memref<32x200x128xi32, #tpu.memory_space<hbm>> -> memref<1x200x128xi32, #tpu.memory_space<hbm>>
      %dma_start3A_29 = tpu.memref_squeeze %dma_start3A_28 : memref<1x200x128xi32, #tpu.memory_space<hbm>> -> memref<200x128xi32, #tpu.memory_space<hbm>>
      %dma_start3A_30 = arith.constant 0 : i32
      %dma_start3A_31 = arith.constant 0 : i32
      %dma_start3A_32 = tpu.memref_slice %arg3[%add3A, %dma_start3A_30, %dma_start3A_31] : memref<32x200x128xi32, #tpu.memory_space<hbm>> -> memref<1x200x128xi32, #tpu.memory_space<hbm>>
      %dma_start3A_33 = tpu.memref_squeeze %dma_start3A_32 : memref<1x200x128xi32, #tpu.memory_space<hbm>> -> memref<200x128xi32, #tpu.memory_space<hbm>>
      tpu.enqueue_dma source(%dma_start3A_33 : memref<200x128xi32, #tpu.memory_space<hbm>>) target(%arg5 : memref<200x128xi32, #tpu.memory_space<vmem>>) target_semaphore(%run_scoped3A : memref<!tpu.dma_semaphore, #tpu.memory_space<semaphore_mem>>)
      %dma_wait3A_34 = arith.constant 0 : i32
      %dma_wait3A_35 = arith.constant 0 : i32
      %dma_wait3A_36 = tpu.memref_slice %arg3[%add3A, %dma_wait3A_34, %dma_wait3A_35] : memref<32x200x128xi32, #tpu.memory_space<hbm>> -> memref<1x200x128xi32, #tpu.memory_space<hbm>>
      %dma_wait3A_37 = tpu.memref_squeeze %dma_wait3A_36 : memref<1x200x128xi32, #tpu.memory_space<hbm>> -> memref<200x128xi32, #tpu.memory_space<hbm>>
      %dma_wait3A_38 = arith.constant 0 : i32
      %dma_wait3A_39 = arith.constant 0 : i32
      %dma_wait3A_40 = tpu.memref_slice %arg3[%add3A, %dma_wait3A_38, %dma_wait3A_39] : memref<32x200x128xi32, #tpu.memory_space<hbm>> -> memref<1x200x128xi32, #tpu.memory_space<hbm>>
      %dma_wait3A_41 = tpu.memref_squeeze %dma_wait3A_40 : memref<1x200x128xi32, #tpu.memory_space<hbm>> -> memref<200x128xi32, #tpu.memory_space<hbm>>
      tpu.wait_dma2 semaphore(%run_scoped3A : memref<!tpu.dma_semaphore, #tpu.memory_space<semaphore_mem>>) src(%dma_wait3A_41 : memref<200x128xi32, #tpu.memory_space<hbm>>) dst(%arg5 : memref<200x128xi32, #tpu.memory_space<vmem>>)
      tpu.yield
    }) : () -> ()
    %scan3A = arith.constant 0 : i32
    %scan3A_3 = arith.constant 0 : i32
    %scan3A_4 = arith.constant 204 : i32
    %scan3A_5 = arith.addi %scan3A_3, %scan3A_4 : i32
    %scan3A_6 = arith.constant 1 : i32
    scf.for %scan3A_27 = %scan3A_3 to %scan3A_5 step %scan3A_6  : i32 {
      %lt3A = arith.constant 200 : i32
      %lt3A_28 = arith.cmpi slt, %scan3A_27, %lt3A : i32
      %convert_element_type3A = arith.extui %lt3A_28 : i1 to i32
      %cond3A = arith.constant 0 : i32
      %cond3A_29 = arith.cmpi ne, %convert_element_type3A, %cond3A : i32
      scf.if %cond3A_29 {
        %jit3A = arith.constant 5 : i32
        %eq3A = arith.constant 0 : i32
        %eq3A_34 = arith.cmpi eq, %jit3A, %eq3A : i32
        %jit3A_35 = arith.constant 1 : i32
        %select_n3A = arith.select %eq3A_34, %jit3A_35, %jit3A : i32
        %rem3A = arith.remsi %scan3A_27, %select_n3A : i32
        %ne3A = arith.constant 0 : i32
        %ne3A_36 = arith.cmpi ne, %rem3A, %ne3A : i32
        %lt3A_37 = arith.constant 0 : i32
        %lt3A_38 = arith.cmpi slt, %rem3A, %lt3A_37 : i32
        %lt3A_39 = arith.constant 0 : i32
        %lt3A_40 = arith.cmpi slt, %select_n3A, %lt3A_39 : i32
        %ne3A_41 = arith.xori %lt3A_38, %lt3A_40 : i1
        %and3A = arith.andi %ne3A_41, %ne3A_36 : i1
        %add3A_42 = arith.addi %rem3A, %select_n3A : i32
        %select_n3A_43 = arith.select %and3A, %add3A_42, %rem3A : i32
        %eq3A_44 = arith.constant 0 : i32
        %eq3A_45 = arith.cmpi eq, %select_n3A_43, %eq3A_44 : i32
        %convert_element_type3A_46 = arith.extui %eq3A_45 : i1 to i32
        %cond3A_47 = arith.constant 0 : i32
        %cond3A_48 = arith.cmpi ne, %convert_element_type3A_46, %cond3A_47 : i32
        scf.if %cond3A_48 {
          %ge3A_133 = arith.constant 5 : i32
          %ge3A_134 = arith.cmpi sge, %scan3A_27, %ge3A_133 : i32
          %convert_element_type3A_135 = arith.extui %ge3A_134 : i1 to i32
          %cond3A_136 = arith.constant 0 : i32
          %cond3A_137 = arith.cmpi ne, %convert_element_type3A_135, %cond3A_136 : i32
          scf.if %cond3A_137 {
            %dma_wait3A_143 = arith.constant 0 : i32
            %dma_wait3A_144 = tpu.memref_slice %arg4[%mul3A_2, %dma_wait3A_143] : memref<819200x128xf32, #tpu.memory_space<hbm>> -> memref<128x128xf32, #tpu.memory_space<hbm>>
            %dma_wait3A_145 = arith.constant 0 : i32
            %dma_wait3A_146 = tpu.memref_slice %arg4[%mul3A_2, %dma_wait3A_145] : memref<819200x128xf32, #tpu.memory_space<hbm>> -> memref<128x128xf32, #tpu.memory_space<hbm>>
            tpu.wait_dma2 semaphore(%arg16 : memref<!tpu.dma_semaphore, #tpu.memory_space<semaphore_mem>>) src(%arg6 : memref<128x128xf32, #tpu.memory_space<vmem>>) dst(%dma_wait3A_146 : memref<128x128xf32, #tpu.memory_space<hbm>>)
          } else {
          }
          %dma_start3A = arith.constant 0 : i32
          %dma_start3A_138 = tpu.memref_slice %arg5[%scan3A_27, %dma_start3A] : memref<200x128xi32, #tpu.memory_space<vmem>> -> memref<1x128xi32, #tpu.memory_space<vmem>>
          %dma_start3A_139 = tpu.memref_squeeze %dma_start3A_138 : memref<1x128xi32, #tpu.memory_space<vmem>> -> memref<128xi32, #tpu.memory_space<vmem>>
          %dma_start3A_140 = arith.constant 0 : i32
          %dma_start3A_141 = arith.constant 0 : i32
          %dma_start3A_142 = tpu.memref_slice %arg2[%dma_start3A_140, %dma_start3A_141] : memref<1015808x128xf32, #tpu.memory_space<hbm>> -> memref<1015808x128xf32, #tpu.memory_space<hbm>>
          tpu.enqueue_indirect_dma source(%dma_start3A_142 : memref<1015808x128xf32, #tpu.memory_space<hbm>>) target(%arg6 : memref<128x128xf32, #tpu.memory_space<vmem>>) offsets(%dma_start3A_139 : memref<128xi32, #tpu.memory_space<vmem>>) semaphore(%arg11 : memref<!tpu.dma_semaphore, #tpu.memory_space<semaphore_mem>>)
        } else {
        }
        %jit3A_49 = arith.constant 5 : i32
        %eq3A_50 = arith.constant 0 : i32
        %eq3A_51 = arith.cmpi eq, %jit3A_49, %eq3A_50 : i32
        %jit3A_52 = arith.constant 1 : i32
        %select_n3A_53 = arith.select %eq3A_51, %jit3A_52, %jit3A_49 : i32
        %rem3A_54 = arith.remsi %scan3A_27, %select_n3A_53 : i32
        %ne3A_55 = arith.constant 0 : i32
        %ne3A_56 = arith.cmpi ne, %rem3A_54, %ne3A_55 : i32
        %lt3A_57 = arith.constant 0 : i32
        %lt3A_58 = arith.cmpi slt, %rem3A_54, %lt3A_57 : i32
        %lt3A_59 = arith.constant 0 : i32
        %lt3A_60 = arith.cmpi slt, %select_n3A_53, %lt3A_59 : i32
        %ne3A_61 = arith.xori %lt3A_58, %lt3A_60 : i1
        %and3A_62 = arith.andi %ne3A_61, %ne3A_56 : i1
        %add3A_63 = arith.addi %rem3A_54, %select_n3A_53 : i32
        %select_n3A_64 = arith.select %and3A_62, %add3A_63, %rem3A_54 : i32
        %eq3A_65 = arith.constant 1 : i32
        %eq3A_66 = arith.cmpi eq, %select_n3A_64, %eq3A_65 : i32
        %convert_element_type3A_67 = arith.extui %eq3A_66 : i1 to i32
        %cond3A_68 = arith.constant 0 : i32
        %cond3A_69 = arith.cmpi ne, %convert_element_type3A_67, %cond3A_68 : i32
        scf.if %cond3A_69 {
          %ge3A_133 = arith.constant 5 : i32
          %ge3A_134 = arith.cmpi sge, %scan3A_27, %ge3A_133 : i32
          %convert_element_type3A_135 = arith.extui %ge3A_134 : i1 to i32
          %cond3A_136 = arith.constant 0 : i32
          %cond3A_137 = arith.cmpi ne, %convert_element_type3A_135, %cond3A_136 : i32
          scf.if %cond3A_137 {
            %dma_wait3A_143 = arith.constant 0 : i32
            %dma_wait3A_144 = tpu.memref_slice %arg4[%mul3A_2, %dma_wait3A_143] : memref<819200x128xf32, #tpu.memory_space<hbm>> -> memref<128x128xf32, #tpu.memory_space<hbm>>
            %dma_wait3A_145 = arith.constant 0 : i32
            %dma_wait3A_146 = tpu.memref_slice %arg4[%mul3A_2, %dma_wait3A_145] : memref<819200x128xf32, #tpu.memory_space<hbm>> -> memref<128x128xf32, #tpu.memory_space<hbm>>
            tpu.wait_dma2 semaphore(%arg17 : memref<!tpu.dma_semaphore, #tpu.memory_space<semaphore_mem>>) src(%arg6 : memref<128x128xf32, #tpu.memory_space<vmem>>) dst(%dma_wait3A_146 : memref<128x128xf32, #tpu.memory_space<hbm>>)
          } else {
          }
          %dma_start3A = arith.constant 0 : i32
          %dma_start3A_138 = tpu.memref_slice %arg5[%scan3A_27, %dma_start3A] : memref<200x128xi32, #tpu.memory_space<vmem>> -> memref<1x128xi32, #tpu.memory_space<vmem>>
          %dma_start3A_139 = tpu.memref_squeeze %dma_start3A_138 : memref<1x128xi32, #tpu.memory_space<vmem>> -> memref<128xi32, #tpu.memory_space<vmem>>
          %dma_start3A_140 = arith.constant 0 : i32
          %dma_start3A_141 = arith.constant 0 : i32
          %dma_start3A_142 = tpu.memref_slice %arg2[%dma_start3A_140, %dma_start3A_141] : memref<1015808x128xf32, #tpu.memory_space<hbm>> -> memref<1015808x128xf32, #tpu.memory_space<hbm>>
          tpu.enqueue_indirect_dma source(%dma_start3A_142 : memref<1015808x128xf32, #tpu.memory_space<hbm>>) target(%arg7 : memref<128x128xf32, #tpu.memory_space<vmem>>) offsets(%dma_start3A_139 : memref<128xi32, #tpu.memory_space<vmem>>) semaphore(%arg12 : memref<!tpu.dma_semaphore, #tpu.memory_space<semaphore_mem>>)
        } else {
        }
        %jit3A_70 = arith.constant 5 : i32
        %eq3A_71 = arith.constant 0 : i32
        %eq3A_72 = arith.cmpi eq, %jit3A_70, %eq3A_71 : i32
        %jit3A_73 = arith.constant 1 : i32
        %select_n3A_74 = arith.select %eq3A_72, %jit3A_73, %jit3A_70 : i32
        %rem3A_75 = arith.remsi %scan3A_27, %select_n3A_74 : i32
        %ne3A_76 = arith.constant 0 : i32
        %ne3A_77 = arith.cmpi ne, %rem3A_75, %ne3A_76 : i32
        %lt3A_78 = arith.constant 0 : i32
        %lt3A_79 = arith.cmpi slt, %rem3A_75, %lt3A_78 : i32
        %lt3A_80 = arith.constant 0 : i32
        %lt3A_81 = arith.cmpi slt, %select_n3A_74, %lt3A_80 : i32
        %ne3A_82 = arith.xori %lt3A_79, %lt3A_81 : i1
        %and3A_83 = arith.andi %ne3A_82, %ne3A_77 : i1
        %add3A_84 = arith.addi %rem3A_75, %select_n3A_74 : i32
        %select_n3A_85 = arith.select %and3A_83, %add3A_84, %rem3A_75 : i32
        %eq3A_86 = arith.constant 2 : i32
        %eq3A_87 = arith.cmpi eq, %select_n3A_85, %eq3A_86 : i32
        %convert_element_type3A_88 = arith.extui %eq3A_87 : i1 to i32
        %cond3A_89 = arith.constant 0 : i32
        %cond3A_90 = arith.cmpi ne, %convert_element_type3A_88, %cond3A_89 : i32
        scf.if %cond3A_90 {
          %ge3A_133 = arith.constant 5 : i32
          %ge3A_134 = arith.cmpi sge, %scan3A_27, %ge3A_133 : i32
          %convert_element_type3A_135 = arith.extui %ge3A_134 : i1 to i32
          %cond3A_136 = arith.constant 0 : i32
          %cond3A_137 = arith.cmpi ne, %convert_element_type3A_135, %cond3A_136 : i32
          scf.if %cond3A_137 {
            %dma_wait3A_143 = arith.constant 0 : i32
            %dma_wait3A_144 = tpu.memref_slice %arg4[%mul3A_2, %dma_wait3A_143] : memref<819200x128xf32, #tpu.memory_space<hbm>> -> memref<128x128xf32, #tpu.memory_space<hbm>>
            %dma_wait3A_145 = arith.constant 0 : i32
            %dma_wait3A_146 = tpu.memref_slice %arg4[%mul3A_2, %dma_wait3A_145] : memref<819200x128xf32, #tpu.memory_space<hbm>> -> memref<128x128xf32, #tpu.memory_space<hbm>>
            tpu.wait_dma2 semaphore(%arg18 : memref<!tpu.dma_semaphore, #tpu.memory_space<semaphore_mem>>) src(%arg6 : memref<128x128xf32, #tpu.memory_space<vmem>>) dst(%dma_wait3A_146 : memref<128x128xf32, #tpu.memory_space<hbm>>)
          } else {
          }
          %dma_start3A = arith.constant 0 : i32
          %dma_start3A_138 = tpu.memref_slice %arg5[%scan3A_27, %dma_start3A] : memref<200x128xi32, #tpu.memory_space<vmem>> -> memref<1x128xi32, #tpu.memory_space<vmem>>
          %dma_start3A_139 = tpu.memref_squeeze %dma_start3A_138 : memref<1x128xi32, #tpu.memory_space<vmem>> -> memref<128xi32, #tpu.memory_space<vmem>>
          %dma_start3A_140 = arith.constant 0 : i32
          %dma_start3A_141 = arith.constant 0 : i32
          %dma_start3A_142 = tpu.memref_slice %arg2[%dma_start3A_140, %dma_start3A_141] : memref<1015808x128xf32, #tpu.memory_space<hbm>> -> memref<1015808x128xf32, #tpu.memory_space<hbm>>
          tpu.enqueue_indirect_dma source(%dma_start3A_142 : memref<1015808x128xf32, #tpu.memory_space<hbm>>) target(%arg8 : memref<128x128xf32, #tpu.memory_space<vmem>>) offsets(%dma_start3A_139 : memref<128xi32, #tpu.memory_space<vmem>>) semaphore(%arg13 : memref<!tpu.dma_semaphore, #tpu.memory_space<semaphore_mem>>)
        } else {
        }
        %jit3A_91 = arith.constant 5 : i32
        %eq3A_92 = arith.constant 0 : i32
        %eq3A_93 = arith.cmpi eq, %jit3A_91, %eq3A_92 : i32
        %jit3A_94 = arith.constant 1 : i32
        %select_n3A_95 = arith.select %eq3A_93, %jit3A_94, %jit3A_91 : i32
        %rem3A_96 = arith.remsi %scan3A_27, %select_n3A_95 : i32
        %ne3A_97 = arith.constant 0 : i32
        %ne3A_98 = arith.cmpi ne, %rem3A_96, %ne3A_97 : i32
        %lt3A_99 = arith.constant 0 : i32
        %lt3A_100 = arith.cmpi slt, %rem3A_96, %lt3A_99 : i32
        %lt3A_101 = arith.constant 0 : i32
        %lt3A_102 = arith.cmpi slt, %select_n3A_95, %lt3A_101 : i32
        %ne3A_103 = arith.xori %lt3A_100, %lt3A_102 : i1
        %and3A_104 = arith.andi %ne3A_103, %ne3A_98 : i1
        %add3A_105 = arith.addi %rem3A_96, %select_n3A_95 : i32
        %select_n3A_106 = arith.select %and3A_104, %add3A_105, %rem3A_96 : i32
        %eq3A_107 = arith.constant 3 : i32
        %eq3A_108 = arith.cmpi eq, %select_n3A_106, %eq3A_107 : i32
        %convert_element_type3A_109 = arith.extui %eq3A_108 : i1 to i32
        %cond3A_110 = arith.constant 0 : i32
        %cond3A_111 = arith.cmpi ne, %convert_element_type3A_109, %cond3A_110 : i32
        scf.if %cond3A_111 {
          %ge3A_133 = arith.constant 5 : i32
          %ge3A_134 = arith.cmpi sge, %scan3A_27, %ge3A_133 : i32
          %convert_element_type3A_135 = arith.extui %ge3A_134 : i1 to i32
          %cond3A_136 = arith.constant 0 : i32
          %cond3A_137 = arith.cmpi ne, %convert_element_type3A_135, %cond3A_136 : i32
          scf.if %cond3A_137 {
            %dma_wait3A_143 = arith.constant 0 : i32
            %dma_wait3A_144 = tpu.memref_slice %arg4[%mul3A_2, %dma_wait3A_143] : memref<819200x128xf32, #tpu.memory_space<hbm>> -> memref<128x128xf32, #tpu.memory_space<hbm>>
            %dma_wait3A_145 = arith.constant 0 : i32
            %dma_wait3A_146 = tpu.memref_slice %arg4[%mul3A_2, %dma_wait3A_145] : memref<819200x128xf32, #tpu.memory_space<hbm>> -> memref<128x128xf32, #tpu.memory_space<hbm>>
            tpu.wait_dma2 semaphore(%arg19 : memref<!tpu.dma_semaphore, #tpu.memory_space<semaphore_mem>>) src(%arg6 : memref<128x128xf32, #tpu.memory_space<vmem>>) dst(%dma_wait3A_146 : memref<128x128xf32, #tpu.memory_space<hbm>>)
          } else {
          }
          %dma_start3A = arith.constant 0 : i32
          %dma_start3A_138 = tpu.memref_slice %arg5[%scan3A_27, %dma_start3A] : memref<200x128xi32, #tpu.memory_space<vmem>> -> memref<1x128xi32, #tpu.memory_space<vmem>>
          %dma_start3A_139 = tpu.memref_squeeze %dma_start3A_138 : memref<1x128xi32, #tpu.memory_space<vmem>> -> memref<128xi32, #tpu.memory_space<vmem>>
          %dma_start3A_140 = arith.constant 0 : i32
          %dma_start3A_141 = arith.constant 0 : i32
          %dma_start3A_142 = tpu.memref_slice %arg2[%dma_start3A_140, %dma_start3A_141] : memref<1015808x128xf32, #tpu.memory_space<hbm>> -> memref<1015808x128xf32, #tpu.memory_space<hbm>>
          tpu.enqueue_indirect_dma source(%dma_start3A_142 : memref<1015808x128xf32, #tpu.memory_space<hbm>>) target(%arg9 : memref<128x128xf32, #tpu.memory_space<vmem>>) offsets(%dma_start3A_139 : memref<128xi32, #tpu.memory_space<vmem>>) semaphore(%arg14 : memref<!tpu.dma_semaphore, #tpu.memory_space<semaphore_mem>>)
        } else {
        }
        %jit3A_112 = arith.constant 5 : i32
        %eq3A_113 = arith.constant 0 : i32
        %eq3A_114 = arith.cmpi eq, %jit3A_112, %eq3A_113 : i32
        %jit3A_115 = arith.constant 1 : i32
        %select_n3A_116 = arith.select %eq3A_114, %jit3A_115, %jit3A_112 : i32
        %rem3A_117 = arith.remsi %scan3A_27, %select_n3A_116 : i32
        %ne3A_118 = arith.constant 0 : i32
        %ne3A_119 = arith.cmpi ne, %rem3A_117, %ne3A_118 : i32
        %lt3A_120 = arith.constant 0 : i32
        %lt3A_121 = arith.cmpi slt, %rem3A_117, %lt3A_120 : i32
        %lt3A_122 = arith.constant 0 : i32
        %lt3A_123 = arith.cmpi slt, %select_n3A_116, %lt3A_122 : i32
        %ne3A_124 = arith.xori %lt3A_121, %lt3A_123 : i1
        %and3A_125 = arith.andi %ne3A_124, %ne3A_119 : i1
        %add3A_126 = arith.addi %rem3A_117, %select_n3A_116 : i32
        %select_n3A_127 = arith.select %and3A_125, %add3A_126, %rem3A_117 : i32
        %eq3A_128 = arith.constant 4 : i32
        %eq3A_129 = arith.cmpi eq, %select_n3A_127, %eq3A_128 : i32
        %convert_element_type3A_130 = arith.extui %eq3A_129 : i1 to i32
        %cond3A_131 = arith.constant 0 : i32
        %cond3A_132 = arith.cmpi ne, %convert_element_type3A_130, %cond3A_131 : i32
        scf.if %cond3A_132 {
          %ge3A_133 = arith.constant 5 : i32
          %ge3A_134 = arith.cmpi sge, %scan3A_27, %ge3A_133 : i32
          %convert_element_type3A_135 = arith.extui %ge3A_134 : i1 to i32
          %cond3A_136 = arith.constant 0 : i32
          %cond3A_137 = arith.cmpi ne, %convert_element_type3A_135, %cond3A_136 : i32
          scf.if %cond3A_137 {
            %dma_wait3A_143 = arith.constant 0 : i32
            %dma_wait3A_144 = tpu.memref_slice %arg4[%mul3A_2, %dma_wait3A_143] : memref<819200x128xf32, #tpu.memory_space<hbm>> -> memref<128x128xf32, #tpu.memory_space<hbm>>
            %dma_wait3A_145 = arith.constant 0 : i32
            %dma_wait3A_146 = tpu.memref_slice %arg4[%mul3A_2, %dma_wait3A_145] : memref<819200x128xf32, #tpu.memory_space<hbm>> -> memref<128x128xf32, #tpu.memory_space<hbm>>
            tpu.wait_dma2 semaphore(%arg20 : memref<!tpu.dma_semaphore, #tpu.memory_space<semaphore_mem>>) src(%arg6 : memref<128x128xf32, #tpu.memory_space<vmem>>) dst(%dma_wait3A_146 : memref<128x128xf32, #tpu.memory_space<hbm>>)
          } else {
          }
          %dma_start3A = arith.constant 0 : i32
          %dma_start3A_138 = tpu.memref_slice %arg5[%scan3A_27, %dma_start3A] : memref<200x128xi32, #tpu.memory_space<vmem>> -> memref<1x128xi32, #tpu.memory_space<vmem>>
          %dma_start3A_139 = tpu.memref_squeeze %dma_start3A_138 : memref<1x128xi32, #tpu.memory_space<vmem>> -> memref<128xi32, #tpu.memory_space<vmem>>
          %dma_start3A_140 = arith.constant 0 : i32
          %dma_start3A_141 = arith.constant 0 : i32
          %dma_start3A_142 = tpu.memref_slice %arg2[%dma_start3A_140, %dma_start3A_141] : memref<1015808x128xf32, #tpu.memory_space<hbm>> -> memref<1015808x128xf32, #tpu.memory_space<hbm>>
          tpu.enqueue_indirect_dma source(%dma_start3A_142 : memref<1015808x128xf32, #tpu.memory_space<hbm>>) target(%arg10 : memref<128x128xf32, #tpu.memory_space<vmem>>) offsets(%dma_start3A_139 : memref<128xi32, #tpu.memory_space<vmem>>) semaphore(%arg15 : memref<!tpu.dma_semaphore, #tpu.memory_space<semaphore_mem>>)
        } else {
        }
      } else {
      }
      %ge3A = arith.constant 4 : i32
      %ge3A_30 = arith.cmpi sge, %scan3A_27, %ge3A : i32
      %convert_element_type3A_31 = arith.extui %ge3A_30 : i1 to i32
      %cond3A_32 = arith.constant 0 : i32
      %cond3A_33 = arith.cmpi ne, %convert_element_type3A_31, %cond3A_32 : i32
      scf.if %cond3A_33 {
        %sub3A = arith.constant 4 : i32
        %sub3A_34 = arith.subi %scan3A_27, %sub3A : i32
        %jit3A = arith.constant 5 : i32
        %eq3A = arith.constant 0 : i32
        %eq3A_35 = arith.cmpi eq, %jit3A, %eq3A : i32
        %jit3A_36 = arith.constant 1 : i32
        %select_n3A = arith.select %eq3A_35, %jit3A_36, %jit3A : i32
        %rem3A = arith.remsi %sub3A_34, %select_n3A : i32
        %ne3A = arith.constant 0 : i32
        %ne3A_37 = arith.cmpi ne, %rem3A, %ne3A : i32
        %lt3A_38 = arith.constant 0 : i32
        %lt3A_39 = arith.cmpi slt, %rem3A, %lt3A_38 : i32
        %lt3A_40 = arith.constant 0 : i32
        %lt3A_41 = arith.cmpi slt, %select_n3A, %lt3A_40 : i32
        %ne3A_42 = arith.xori %lt3A_39, %lt3A_41 : i1
        %and3A = arith.andi %ne3A_42, %ne3A_37 : i1
        %add3A_43 = arith.addi %rem3A, %select_n3A : i32
        %select_n3A_44 = arith.select %and3A, %add3A_43, %rem3A : i32
        %eq3A_45 = arith.constant 0 : i32
        %eq3A_46 = arith.cmpi eq, %select_n3A_44, %eq3A_45 : i32
        %convert_element_type3A_47 = arith.extui %eq3A_46 : i1 to i32
        %cond3A_48 = arith.constant 0 : i32
        %cond3A_49 = arith.cmpi ne, %convert_element_type3A_47, %cond3A_48 : i32
        scf.if %cond3A_49 {
          %dma_wait3A_134 = arith.constant 0 : i32
          %dma_wait3A_135 = tpu.memref_slice %arg5[%sub3A_34, %dma_wait3A_134] : memref<200x128xi32, #tpu.memory_space<vmem>> -> memref<1x128xi32, #tpu.memory_space<vmem>>
          %dma_wait3A_136 = tpu.memref_squeeze %dma_wait3A_135 : memref<1x128xi32, #tpu.memory_space<vmem>> -> memref<128xi32, #tpu.memory_space<vmem>>
          %dma_wait3A_137 = arith.constant 0 : i32
          %dma_wait3A_138 = arith.constant 0 : i32
          %dma_wait3A_139 = tpu.memref_slice %arg2[%dma_wait3A_137, %dma_wait3A_138] : memref<1015808x128xf32, #tpu.memory_space<hbm>> -> memref<1015808x128xf32, #tpu.memory_space<hbm>>
          tpu.wait_indirect_dma semaphore(%arg11 : memref<!tpu.dma_semaphore, #tpu.memory_space<semaphore_mem>>) src(%dma_wait3A_139 : memref<1015808x128xf32, #tpu.memory_space<hbm>>) dst(%arg6 : memref<128x128xf32, #tpu.memory_space<vmem>>)
          %mul3A_140 = arith.constant 128 : i32
          %mul3A_141 = arith.muli %sub3A_34, %mul3A_140 : i32
          %add3A_142 = arith.addi %mul3A_2, %mul3A_141 : i32
          %dma_start3A = arith.constant 0 : i32
          %dma_start3A_143 = tpu.memref_slice %arg4[%add3A_142, %dma_start3A] : memref<819200x128xf32, #tpu.memory_space<hbm>> -> memref<128x128xf32, #tpu.memory_space<hbm>>
          %dma_start3A_144 = arith.constant 0 : i32
          %dma_start3A_145 = tpu.memref_slice %arg4[%add3A_142, %dma_start3A_144] : memref<819200x128xf32, #tpu.memory_space<hbm>> -> memref<128x128xf32, #tpu.memory_space<hbm>>
          tpu.enqueue_dma source(%arg6 : memref<128x128xf32, #tpu.memory_space<vmem>>) target(%dma_start3A_145 : memref<128x128xf32, #tpu.memory_space<hbm>>) target_semaphore(%arg16 : memref<!tpu.dma_semaphore, #tpu.memory_space<semaphore_mem>>)
        } else {
        }
        %jit3A_50 = arith.constant 5 : i32
        %eq3A_51 = arith.constant 0 : i32
        %eq3A_52 = arith.cmpi eq, %jit3A_50, %eq3A_51 : i32
        %jit3A_53 = arith.constant 1 : i32
        %select_n3A_54 = arith.select %eq3A_52, %jit3A_53, %jit3A_50 : i32
        %rem3A_55 = arith.remsi %sub3A_34, %select_n3A_54 : i32
        %ne3A_56 = arith.constant 0 : i32
        %ne3A_57 = arith.cmpi ne, %rem3A_55, %ne3A_56 : i32
        %lt3A_58 = arith.constant 0 : i32
        %lt3A_59 = arith.cmpi slt, %rem3A_55, %lt3A_58 : i32
        %lt3A_60 = arith.constant 0 : i32
        %lt3A_61 = arith.cmpi slt, %select_n3A_54, %lt3A_60 : i32
        %ne3A_62 = arith.xori %lt3A_59, %lt3A_61 : i1
        %and3A_63 = arith.andi %ne3A_62, %ne3A_57 : i1
        %add3A_64 = arith.addi %rem3A_55, %select_n3A_54 : i32
        %select_n3A_65 = arith.select %and3A_63, %add3A_64, %rem3A_55 : i32
        %eq3A_66 = arith.constant 1 : i32
        %eq3A_67 = arith.cmpi eq, %select_n3A_65, %eq3A_66 : i32
        %convert_element_type3A_68 = arith.extui %eq3A_67 : i1 to i32
        %cond3A_69 = arith.constant 0 : i32
        %cond3A_70 = arith.cmpi ne, %convert_element_type3A_68, %cond3A_69 : i32
        scf.if %cond3A_70 {
          %dma_wait3A_134 = arith.constant 0 : i32
          %dma_wait3A_135 = tpu.memref_slice %arg5[%sub3A_34, %dma_wait3A_134] : memref<200x128xi32, #tpu.memory_space<vmem>> -> memref<1x128xi32, #tpu.memory_space<vmem>>
          %dma_wait3A_136 = tpu.memref_squeeze %dma_wait3A_135 : memref<1x128xi32, #tpu.memory_space<vmem>> -> memref<128xi32, #tpu.memory_space<vmem>>
          %dma_wait3A_137 = arith.constant 0 : i32
          %dma_wait3A_138 = arith.constant 0 : i32
          %dma_wait3A_139 = tpu.memref_slice %arg2[%dma_wait3A_137, %dma_wait3A_138] : memref<1015808x128xf32, #tpu.memory_space<hbm>> -> memref<1015808x128xf32, #tpu.memory_space<hbm>>
          tpu.wait_indirect_dma semaphore(%arg12 : memref<!tpu.dma_semaphore, #tpu.memory_space<semaphore_mem>>) src(%dma_wait3A_139 : memref<1015808x128xf32, #tpu.memory_space<hbm>>) dst(%arg7 : memref<128x128xf32, #tpu.memory_space<vmem>>)
          %mul3A_140 = arith.constant 128 : i32
          %mul3A_141 = arith.muli %sub3A_34, %mul3A_140 : i32
          %add3A_142 = arith.addi %mul3A_2, %mul3A_141 : i32
          %dma_start3A = arith.constant 0 : i32
          %dma_start3A_143 = tpu.memref_slice %arg4[%add3A_142, %dma_start3A] : memref<819200x128xf32, #tpu.memory_space<hbm>> -> memref<128x128xf32, #tpu.memory_space<hbm>>
          %dma_start3A_144 = arith.constant 0 : i32
          %dma_start3A_145 = tpu.memref_slice %arg4[%add3A_142, %dma_start3A_144] : memref<819200x128xf32, #tpu.memory_space<hbm>> -> memref<128x128xf32, #tpu.memory_space<hbm>>
          tpu.enqueue_dma source(%arg7 : memref<128x128xf32, #tpu.memory_space<vmem>>) target(%dma_start3A_145 : memref<128x128xf32, #tpu.memory_space<hbm>>) target_semaphore(%arg17 : memref<!tpu.dma_semaphore, #tpu.memory_space<semaphore_mem>>)
        } else {
        }
        %jit3A_71 = arith.constant 5 : i32
        %eq3A_72 = arith.constant 0 : i32
        %eq3A_73 = arith.cmpi eq, %jit3A_71, %eq3A_72 : i32
        %jit3A_74 = arith.constant 1 : i32
        %select_n3A_75 = arith.select %eq3A_73, %jit3A_74, %jit3A_71 : i32
        %rem3A_76 = arith.remsi %sub3A_34, %select_n3A_75 : i32
        %ne3A_77 = arith.constant 0 : i32
        %ne3A_78 = arith.cmpi ne, %rem3A_76, %ne3A_77 : i32
        %lt3A_79 = arith.constant 0 : i32
        %lt3A_80 = arith.cmpi slt, %rem3A_76, %lt3A_79 : i32
        %lt3A_81 = arith.constant 0 : i32
        %lt3A_82 = arith.cmpi slt, %select_n3A_75, %lt3A_81 : i32
        %ne3A_83 = arith.xori %lt3A_80, %lt3A_82 : i1
        %and3A_84 = arith.andi %ne3A_83, %ne3A_78 : i1
        %add3A_85 = arith.addi %rem3A_76, %select_n3A_75 : i32
        %select_n3A_86 = arith.select %and3A_84, %add3A_85, %rem3A_76 : i32
        %eq3A_87 = arith.constant 2 : i32
        %eq3A_88 = arith.cmpi eq, %select_n3A_86, %eq3A_87 : i32
        %convert_element_type3A_89 = arith.extui %eq3A_88 : i1 to i32
        %cond3A_90 = arith.constant 0 : i32
        %cond3A_91 = arith.cmpi ne, %convert_element_type3A_89, %cond3A_90 : i32
        scf.if %cond3A_91 {
          %dma_wait3A_134 = arith.constant 0 : i32
          %dma_wait3A_135 = tpu.memref_slice %arg5[%sub3A_34, %dma_wait3A_134] : memref<200x128xi32, #tpu.memory_space<vmem>> -> memref<1x128xi32, #tpu.memory_space<vmem>>
          %dma_wait3A_136 = tpu.memref_squeeze %dma_wait3A_135 : memref<1x128xi32, #tpu.memory_space<vmem>> -> memref<128xi32, #tpu.memory_space<vmem>>
          %dma_wait3A_137 = arith.constant 0 : i32
          %dma_wait3A_138 = arith.constant 0 : i32
          %dma_wait3A_139 = tpu.memref_slice %arg2[%dma_wait3A_137, %dma_wait3A_138] : memref<1015808x128xf32, #tpu.memory_space<hbm>> -> memref<1015808x128xf32, #tpu.memory_space<hbm>>
          tpu.wait_indirect_dma semaphore(%arg13 : memref<!tpu.dma_semaphore, #tpu.memory_space<semaphore_mem>>) src(%dma_wait3A_139 : memref<1015808x128xf32, #tpu.memory_space<hbm>>) dst(%arg8 : memref<128x128xf32, #tpu.memory_space<vmem>>)
          %mul3A_140 = arith.constant 128 : i32
          %mul3A_141 = arith.muli %sub3A_34, %mul3A_140 : i32
          %add3A_142 = arith.addi %mul3A_2, %mul3A_141 : i32
          %dma_start3A = arith.constant 0 : i32
          %dma_start3A_143 = tpu.memref_slice %arg4[%add3A_142, %dma_start3A] : memref<819200x128xf32, #tpu.memory_space<hbm>> -> memref<128x128xf32, #tpu.memory_space<hbm>>
          %dma_start3A_144 = arith.constant 0 : i32
          %dma_start3A_145 = tpu.memref_slice %arg4[%add3A_142, %dma_start3A_144] : memref<819200x128xf32, #tpu.memory_space<hbm>> -> memref<128x128xf32, #tpu.memory_space<hbm>>
          tpu.enqueue_dma source(%arg8 : memref<128x128xf32, #tpu.memory_space<vmem>>) target(%dma_start3A_145 : memref<128x128xf32, #tpu.memory_space<hbm>>) target_semaphore(%arg18 : memref<!tpu.dma_semaphore, #tpu.memory_space<semaphore_mem>>)
        } else {
        }
        %jit3A_92 = arith.constant 5 : i32
        %eq3A_93 = arith.constant 0 : i32
        %eq3A_94 = arith.cmpi eq, %jit3A_92, %eq3A_93 : i32
        %jit3A_95 = arith.constant 1 : i32
        %select_n3A_96 = arith.select %eq3A_94, %jit3A_95, %jit3A_92 : i32
        %rem3A_97 = arith.remsi %sub3A_34, %select_n3A_96 : i32
        %ne3A_98 = arith.constant 0 : i32
        %ne3A_99 = arith.cmpi ne, %rem3A_97, %ne3A_98 : i32
        %lt3A_100 = arith.constant 0 : i32
        %lt3A_101 = arith.cmpi slt, %rem3A_97, %lt3A_100 : i32
        %lt3A_102 = arith.constant 0 : i32
        %lt3A_103 = arith.cmpi slt, %select_n3A_96, %lt3A_102 : i32
        %ne3A_104 = arith.xori %lt3A_101, %lt3A_103 : i1
        %and3A_105 = arith.andi %ne3A_104, %ne3A_99 : i1
        %add3A_106 = arith.addi %rem3A_97, %select_n3A_96 : i32
        %select_n3A_107 = arith.select %and3A_105, %add3A_106, %rem3A_97 : i32
        %eq3A_108 = arith.constant 3 : i32
        %eq3A_109 = arith.cmpi eq, %select_n3A_107, %eq3A_108 : i32
        %convert_element_type3A_110 = arith.extui %eq3A_109 : i1 to i32
        %cond3A_111 = arith.constant 0 : i32
        %cond3A_112 = arith.cmpi ne, %convert_element_type3A_110, %cond3A_111 : i32
        scf.if %cond3A_112 {
          %dma_wait3A_134 = arith.constant 0 : i32
          %dma_wait3A_135 = tpu.memref_slice %arg5[%sub3A_34, %dma_wait3A_134] : memref<200x128xi32, #tpu.memory_space<vmem>> -> memref<1x128xi32, #tpu.memory_space<vmem>>
          %dma_wait3A_136 = tpu.memref_squeeze %dma_wait3A_135 : memref<1x128xi32, #tpu.memory_space<vmem>> -> memref<128xi32, #tpu.memory_space<vmem>>
          %dma_wait3A_137 = arith.constant 0 : i32
          %dma_wait3A_138 = arith.constant 0 : i32
          %dma_wait3A_139 = tpu.memref_slice %arg2[%dma_wait3A_137, %dma_wait3A_138] : memref<1015808x128xf32, #tpu.memory_space<hbm>> -> memref<1015808x128xf32, #tpu.memory_space<hbm>>
          tpu.wait_indirect_dma semaphore(%arg14 : memref<!tpu.dma_semaphore, #tpu.memory_space<semaphore_mem>>) src(%dma_wait3A_139 : memref<1015808x128xf32, #tpu.memory_space<hbm>>) dst(%arg9 : memref<128x128xf32, #tpu.memory_space<vmem>>)
          %mul3A_140 = arith.constant 128 : i32
          %mul3A_141 = arith.muli %sub3A_34, %mul3A_140 : i32
          %add3A_142 = arith.addi %mul3A_2, %mul3A_141 : i32
          %dma_start3A = arith.constant 0 : i32
          %dma_start3A_143 = tpu.memref_slice %arg4[%add3A_142, %dma_start3A] : memref<819200x128xf32, #tpu.memory_space<hbm>> -> memref<128x128xf32, #tpu.memory_space<hbm>>
          %dma_start3A_144 = arith.constant 0 : i32
          %dma_start3A_145 = tpu.memref_slice %arg4[%add3A_142, %dma_start3A_144] : memref<819200x128xf32, #tpu.memory_space<hbm>> -> memref<128x128xf32, #tpu.memory_space<hbm>>
          tpu.enqueue_dma source(%arg9 : memref<128x128xf32, #tpu.memory_space<vmem>>) target(%dma_start3A_145 : memref<128x128xf32, #tpu.memory_space<hbm>>) target_semaphore(%arg19 : memref<!tpu.dma_semaphore, #tpu.memory_space<semaphore_mem>>)
        } else {
        }
        %jit3A_113 = arith.constant 5 : i32
        %eq3A_114 = arith.constant 0 : i32
        %eq3A_115 = arith.cmpi eq, %jit3A_113, %eq3A_114 : i32
        %jit3A_116 = arith.constant 1 : i32
        %select_n3A_117 = arith.select %eq3A_115, %jit3A_116, %jit3A_113 : i32
        %rem3A_118 = arith.remsi %sub3A_34, %select_n3A_117 : i32
        %ne3A_119 = arith.constant 0 : i32
        %ne3A_120 = arith.cmpi ne, %rem3A_118, %ne3A_119 : i32
        %lt3A_121 = arith.constant 0 : i32
        %lt3A_122 = arith.cmpi slt, %rem3A_118, %lt3A_121 : i32
        %lt3A_123 = arith.constant 0 : i32
        %lt3A_124 = arith.cmpi slt, %select_n3A_117, %lt3A_123 : i32
        %ne3A_125 = arith.xori %lt3A_122, %lt3A_124 : i1
        %and3A_126 = arith.andi %ne3A_125, %ne3A_120 : i1
        %add3A_127 = arith.addi %rem3A_118, %select_n3A_117 : i32
        %select_n3A_128 = arith.select %and3A_126, %add3A_127, %rem3A_118 : i32
        %eq3A_129 = arith.constant 4 : i32
        %eq3A_130 = arith.cmpi eq, %select_n3A_128, %eq3A_129 : i32
        %convert_element_type3A_131 = arith.extui %eq3A_130 : i1 to i32
        %cond3A_132 = arith.constant 0 : i32
        %cond3A_133 = arith.cmpi ne, %convert_element_type3A_131, %cond3A_132 : i32
        scf.if %cond3A_133 {
          %dma_wait3A_134 = arith.constant 0 : i32
          %dma_wait3A_135 = tpu.memref_slice %arg5[%sub3A_34, %dma_wait3A_134] : memref<200x128xi32, #tpu.memory_space<vmem>> -> memref<1x128xi32, #tpu.memory_space<vmem>>
          %dma_wait3A_136 = tpu.memref_squeeze %dma_wait3A_135 : memref<1x128xi32, #tpu.memory_space<vmem>> -> memref<128xi32, #tpu.memory_space<vmem>>
          %dma_wait3A_137 = arith.constant 0 : i32
          %dma_wait3A_138 = arith.constant 0 : i32
          %dma_wait3A_139 = tpu.memref_slice %arg2[%dma_wait3A_137, %dma_wait3A_138] : memref<1015808x128xf32, #tpu.memory_space<hbm>> -> memref<1015808x128xf32, #tpu.memory_space<hbm>>
          tpu.wait_indirect_dma semaphore(%arg15 : memref<!tpu.dma_semaphore, #tpu.memory_space<semaphore_mem>>) src(%dma_wait3A_139 : memref<1015808x128xf32, #tpu.memory_space<hbm>>) dst(%arg10 : memref<128x128xf32, #tpu.memory_space<vmem>>)
          %mul3A_140 = arith.constant 128 : i32
          %mul3A_141 = arith.muli %sub3A_34, %mul3A_140 : i32
          %add3A_142 = arith.addi %mul3A_2, %mul3A_141 : i32
          %dma_start3A = arith.constant 0 : i32
          %dma_start3A_143 = tpu.memref_slice %arg4[%add3A_142, %dma_start3A] : memref<819200x128xf32, #tpu.memory_space<hbm>> -> memref<128x128xf32, #tpu.memory_space<hbm>>
          %dma_start3A_144 = arith.constant 0 : i32
          %dma_start3A_145 = tpu.memref_slice %arg4[%add3A_142, %dma_start3A_144] : memref<819200x128xf32, #tpu.memory_space<hbm>> -> memref<128x128xf32, #tpu.memory_space<hbm>>
          tpu.enqueue_dma source(%arg10 : memref<128x128xf32, #tpu.memory_space<vmem>>) target(%dma_start3A_145 : memref<128x128xf32, #tpu.memory_space<hbm>>) target_semaphore(%arg20 : memref<!tpu.dma_semaphore, #tpu.memory_space<semaphore_mem>>)
        } else {
        }
      } else {
      }
    }
    %scan3A_7 = arith.constant 204 : i32
    %dma_wait3A = arith.constant 0 : i32
    %dma_wait3A_8 = tpu.memref_slice %arg4[%mul3A_2, %dma_wait3A] : memref<819200x128xf32, #tpu.memory_space<hbm>> -> memref<128x128xf32, #tpu.memory_space<hbm>>
    %dma_wait3A_9 = arith.constant 0 : i32
    %dma_wait3A_10 = tpu.memref_slice %arg4[%mul3A_2, %dma_wait3A_9] : memref<819200x128xf32, #tpu.memory_space<hbm>> -> memref<128x128xf32, #tpu.memory_space<hbm>>
    tpu.wait_dma2 semaphore(%arg16 : memref<!tpu.dma_semaphore, #tpu.memory_space<semaphore_mem>>) src(%arg6 : memref<128x128xf32, #tpu.memory_space<vmem>>) dst(%dma_wait3A_10 : memref<128x128xf32, #tpu.memory_space<hbm>>)
    %dma_wait3A_11 = arith.constant 0 : i32
    %dma_wait3A_12 = tpu.memref_slice %arg4[%mul3A_2, %dma_wait3A_11] : memref<819200x128xf32, #tpu.memory_space<hbm>> -> memref<128x128xf32, #tpu.memory_space<hbm>>
    %dma_wait3A_13 = arith.constant 0 : i32
    %dma_wait3A_14 = tpu.memref_slice %arg4[%mul3A_2, %dma_wait3A_13] : memref<819200x128xf32, #tpu.memory_space<hbm>> -> memref<128x128xf32, #tpu.memory_space<hbm>>
    tpu.wait_dma2 semaphore(%arg17 : memref<!tpu.dma_semaphore, #tpu.memory_space<semaphore_mem>>) src(%arg6 : memref<128x128xf32, #tpu.memory_space<vmem>>) dst(%dma_wait3A_14 : memref<128x128xf32, #tpu.memory_space<hbm>>)
    %dma_wait3A_15 = arith.constant 0 : i32
    %dma_wait3A_16 = tpu.memref_slice %arg4[%mul3A_2, %dma_wait3A_15] : memref<819200x128xf32, #tpu.memory_space<hbm>> -> memref<128x128xf32, #tpu.memory_space<hbm>>
    %dma_wait3A_17 = arith.constant 0 : i32
    %dma_wait3A_18 = tpu.memref_slice %arg4[%mul3A_2, %dma_wait3A_17] : memref<819200x128xf32, #tpu.memory_space<hbm>> -> memref<128x128xf32, #tpu.memory_space<hbm>>
    tpu.wait_dma2 semaphore(%arg18 : memref<!tpu.dma_semaphore, #tpu.memory_space<semaphore_mem>>) src(%arg6 : memref<128x128xf32, #tpu.memory_space<vmem>>) dst(%dma_wait3A_18 : memref<128x128xf32, #tpu.memory_space<hbm>>)
    %dma_wait3A_19 = arith.constant 0 : i32
    %dma_wait3A_20 = tpu.memref_slice %arg4[%mul3A_2, %dma_wait3A_19] : memref<819200x128xf32, #tpu.memory_space<hbm>> -> memref<128x128xf32, #tpu.memory_space<hbm>>
    %dma_wait3A_21 = arith.constant 0 : i32
    %dma_wait3A_22 = tpu.memref_slice %arg4[%mul3A_2, %dma_wait3A_21] : memref<819200x128xf32, #tpu.memory_space<hbm>> -> memref<128x128xf32, #tpu.memory_space<hbm>>
    tpu.wait_dma2 semaphore(%arg19 : memref<!tpu.dma_semaphore, #tpu.memory_space<semaphore_mem>>) src(%arg6 : memref<128x128xf32, #tpu.memory_space<vmem>>) dst(%dma_wait3A_22 : memref<128x128xf32, #tpu.memory_space<hbm>>)
    %dma_wait3A_23 = arith.constant 0 : i32
    %dma_wait3A_24 = tpu.memref_slice %arg4[%mul3A_2, %dma_wait3A_23] : memref<819200x128xf32, #tpu.memory_space<hbm>> -> memref<128x128xf32, #tpu.memory_space<hbm>>
    %dma_wait3A_25 = arith.constant 0 : i32
    %dma_wait3A_26 = tpu.memref_slice %arg4[%mul3A_2, %dma_wait3A_25] : memref<819200x128xf32, #tpu.memory_space<hbm>> -> memref<128x128xf32, #tpu.memory_space<hbm>>
    tpu.wait_dma2 semaphore(%arg20 : memref<!tpu.dma_semaphore, #tpu.memory_space<semaphore_mem>>) src(%arg6 : memref<128x128xf32, #tpu.memory_space<vmem>>) dst(%dma_wait3A_26 : memref<128x128xf32, #tpu.memory_space<hbm>>)
    return
  }
}

module attributes {stable_mosaic.version = 14 : i64} {
  func.func @_body0(%arg0: i32, %arg1: memref<10000x128xf32, #tpu.memory_space<vmem>>, %arg2: memref<128x128xf32, #tpu.memory_space<vmem>>, %arg3: memref<10000x128xf32, #tpu.memory_space<vmem>>) attributes {dimension_semantics = [#tpu.dimension_semantics<arbitrary>], iteration_bounds = array<i64: 2>, scalar_prefetch = 0 : i64, scratch_operands = 0 : i64, tpu.core_type = #tpu.core_type<tc>, window_params = [{transform_indices = @transform_0, window_bounds = array<i64: 10000, 128>}, {transform_indices = @transform_1, window_bounds = array<i64: 128, 128>}, {transform_indices = @transform_2, window_bounds = array<i64: 10000, 128>}]} {
    %get3A = arith.constant 0 : index
    %get3A_0 = arith.constant 0 : index
    %get3A_1 = vector.load %arg1[%get3A, %get3A_0] : memref<10000x128xf32, #tpu.memory_space<vmem>>, vector<10000x128xf32>
    %get3A_2 = arith.constant 0 : index
    %get3A_3 = arith.constant 0 : index
    %get3A_4 = vector.load %arg2[%get3A_2, %get3A_3] : memref<128x128xf32, #tpu.memory_space<vmem>>, vector<128x128xf32>
    %dot_general3A = arith.constant dense<0.000000e+00> : vector<10000x128xf32>
    %dot_general3A_5 = tpu.matmul %get3A_1, %get3A_4, %dot_general3A {dimension_numbers = #tpu.dot_dimension_numbers<[1], [0], [0], [1], [0, 0, 1, 1], [], []>, transpose_lhs_hint = false} : vector<10000x128xf32>, vector<128x128xf32>, vector<10000x128xf32> -> vector<10000x128xf32>
    %swap3A = arith.constant 0 : index
    %swap3A_6 = arith.constant 0 : index
    %swap3A_7 = vector.load %arg3[%swap3A, %swap3A_6] : memref<10000x128xf32, #tpu.memory_space<vmem>>, vector<10000x128xf32>
    tpu.vector_store %arg3[%swap3A, %swap3A_6], %dot_general3A_5 {strides = array<i32>} : memref<10000x128xf32, #tpu.memory_space<vmem>>, vector<10000x128xf32>,
    return
  }
  func.func @transform_0(%arg0: i32) -> (i32, i32) {
    %c0_i32 = arith.constant 0 : i32
    %c0_i32_0 = arith.constant 0 : i32
    return %arg0, %c0_i32 : i32, i32
  }
  func.func @transform_1(%arg0: i32) -> (i32, i32) {
    %c0_i32 = arith.constant 0 : i32
    %c0_i32_0 = arith.constant 0 : i32
    %c0_i32_1 = arith.constant 0 : i32
    return %c0_i32, %c0_i32_0 : i32, i32
  }
  func.func @transform_2(%arg0: i32) -> (i32, i32) {
    %c0_i32 = arith.constant 0 : i32
    %c0_i32_0 = arith.constant 0 : i32
    return %arg0, %c0_i32 : i32, i32
  }
}

module attributes {stable_mosaic.version = 14 : i64} {
  func.func @_body12(%arg0: i32, %arg1: memref<1015808x128xf32, #tpu.memory_space<any>>, %arg2: memref<32x16000xf32, #tpu.memory_space<vmem>>, %arg3: memref<32x128xf32, #tpu.memory_space<vmem>>, %arg4: memref<16000x128xf32, #tpu.memory_space<vmem>>) attributes {dimension_semantics = [#tpu.dimension_semantics<arbitrary>], iteration_bounds = array<i64: 5>, scalar_prefetch = 0 : i64, scratch_operands = 0 : i64, tpu.core_type = #tpu.core_type<tc>, window_params = [{}, {transform_indices = @transform_1, window_bounds = array<i64: 32, 16000>}, {transform_indices = @transform_2, window_bounds = array<i64: 32, 128>}, {transform_indices = @transform_3, window_bounds = array<i64: 16000, 128>}]} {
    %get3A = arith.constant 0 : index
    %get3A_0 = arith.constant 0 : index
    %get3A_1 = vector.load %arg2[%get3A, %get3A_0] : memref<32x16000xf32, #tpu.memory_space<vmem>>, vector<32x16000xf32>
    %get3A_2 = arith.constant 0 : index
    %get3A_3 = arith.constant 0 : index
    %get3A_4 = vector.load %arg3[%get3A_2, %get3A_3] : memref<32x128xf32, #tpu.memory_space<vmem>>, vector<32x128xf32>
    %dot_general3A = arith.constant dense<0.000000e+00> : vector<16000x128xf32>
    %dot_general3A_5 = tpu.matmul %get3A_1, %get3A_4, %dot_general3A {dimension_numbers = #tpu.dot_dimension_numbers<[0], [0], [1], [1], [0, 1, 1, 1], [], []>, transpose_lhs_hint = false} : vector<32x16000xf32>, vector<32x128xf32>, vector<16000x128xf32> -> vector<16000x128xf32>
    %swap3A = arith.constant 0 : index
    %swap3A_6 = arith.constant 0 : index
    %swap3A_7 = vector.load %arg4[%swap3A, %swap3A_6] : memref<16000x128xf32, #tpu.memory_space<vmem>>, vector<16000x128xf32>
    tpu.vector_store %arg4[%swap3A, %swap3A_6], %dot_general3A_5 {strides = array<i32>} : memref<16000x128xf32, #tpu.memory_space<vmem>>, vector<16000x128xf32>,
    return
  }
  func.func @transform_1(%arg0: i32) -> (i32, i32) {
    %c0_i32 = arith.constant 0 : i32
    %c0_i32_0 = arith.constant 0 : i32
    return %c0_i32, %arg0 : i32, i32
  }
  func.func @transform_2(%arg0: i32) -> (i32, i32) {
    %c0_i32 = arith.constant 0 : i32
    %c0_i32_0 = arith.constant 0 : i32
    %c0_i32_1 = arith.constant 0 : i32
    return %c0_i32, %c0_i32_0 : i32, i32
  }
  func.func @transform_3(%arg0: i32) -> (i32, i32) {
    %add3A = arith.constant 2 : i32
    %add3A_0 = arith.addi %add3A, %arg0 : i32
    %c0_i32 = arith.constant 0 : i32
    %c0_i32_1 = arith.constant 0 : i32
    return %add3A_0, %c0_i32 : i32, i32
  }
}

module attributes {stable_mosaic.version = 14 : i64} {
  func.func @_body12(%arg0: i32, %arg1: memref<1015808x128xf32, #tpu.memory_space<any>>, %arg2: memref<8x16384xf32, #tpu.memory_space<vmem>>, %arg3: memref<8x128xf32, #tpu.memory_space<vmem>>, %arg4: memref<16384x128xf32, #tpu.memory_space<vmem>>) attributes {dimension_semantics = [#tpu.dimension_semantics<arbitrary>], iteration_bounds = array<i64: 55>, scalar_prefetch = 0 : i64, scratch_operands = 0 : i64, tpu.core_type = #tpu.core_type<tc>, window_params = [{}, {transform_indices = @transform_1, window_bounds = array<i64: 8, 16384>}, {pipeline_mode = #tpu.pipeline_mode<synchronous>, transform_indices = @transform_2, window_bounds = array<i64: 8, 128>}, {transform_indices = @transform_3, window_bounds = array<i64: 16384, 128>}]} {
    %get3A = arith.constant 0 : index
    %get3A_0 = arith.constant 0 : index
    %get3A_1 = vector.load %arg2[%get3A, %get3A_0] : memref<8x16384xf32, #tpu.memory_space<vmem>>, vector<8x16384xf32>
    %get3A_2 = arith.constant 0 : index
    %get3A_3 = arith.constant 0 : index
    %get3A_4 = vector.load %arg3[%get3A_2, %get3A_3] : memref<8x128xf32, #tpu.memory_space<vmem>>, vector<8x128xf32>
    %dot_general3A = arith.constant dense<0.000000e+00> : vector<16384x128xf32>
    %dot_general3A_5 = tpu.matmul %get3A_1, %get3A_4, %dot_general3A {dimension_numbers = #tpu.dot_dimension_numbers<[0], [0], [1], [1], [0, 1, 1, 1], [], []>, transpose_lhs_hint = false} : vector<8x16384xf32>, vector<8x128xf32>, vector<16384x128xf32> -> vector<16384x128xf32>
    %swap3A = arith.constant 0 : index
    %swap3A_6 = arith.constant 0 : index
    %swap3A_7 = vector.load %arg4[%swap3A, %swap3A_6] : memref<16384x128xf32, #tpu.memory_space<vmem>>, vector<16384x128xf32>
    tpu.vector_store %arg4[%swap3A, %swap3A_6], %dot_general3A_5 {strides = array<i32>} : memref<16384x128xf32, #tpu.memory_space<vmem>>, vector<16384x128xf32>,
    return
  }
  func.func @transform_1(%arg0: i32) -> (i32, i32) {
    %c0_i32 = arith.constant 0 : i32
    %c0_i32_0 = arith.constant 0 : i32
    return %c0_i32, %arg0 : i32, i32
  }
  func.func @transform_2(%arg0: i32) -> (i32, i32) {
    %c0_i32 = arith.constant 0 : i32
    %c0_i32_0 = arith.constant 0 : i32
    %c0_i32_1 = arith.constant 0 : i32
    return %c0_i32, %c0_i32_0 : i32, i32
  }
  func.func @transform_3(%arg0: i32) -> (i32, i32) {
    %add3A = arith.constant 7 : i32
    %add3A_0 = arith.addi %add3A, %arg0 : i32
    %c0_i32 = arith.constant 0 : i32
    %c0_i32_1 = arith.constant 0 : i32
    return %add3A_0, %c0_i32 : i32, i32
  }
}

</mosaic_0001>

<sc_bundles>
// kernel: kernel.6.cloned.1.call-start
scs
__scs_entry_jumppad:
0x0: {  	(pc) =	sbr.rel $0x88, $3  }
0x1: {  	(tag) =	ssettag $0x0;
	lr =	simm.s32 $0x1  }
0x2: {  	[smem:$0x3F9A] =	sst lr;
	_ =	strace $0xD0000000  }
0x3: {  	_ = 	snop  }
0x4: {  	_ = 	snop  }
0x5: {  	_ = 	snop  }
0x6: {  	_ = 	snop  }
0x7: {  	_ = 	snop  }
__scs_overlays_trampoline_lowered:
0x8: {  	[smem:$0x3FA9] =	sst s0  }
0x9: {  	[smem:$0x3FAA] =	sst s1  }
0xa: {  	[smem:$0x3FAB] =	sst s2  }
0xb: {  	[smem:$0x3FAC] =	sst s3  }
0xc: {  	[smem:$0x3FAD] =	sst s4  }
0xd: {  	[smem:$0x3FAE] =	sst s5  }
0xe: {  	[smem:$0x3FAF] =	sst s6  }
0xf: {  	[smem:$0x3FB0] =	sst s7  }
0x10: {  	[smem:$0x3FB1] =	sst s8  }
0x11: {  	[smem:$0x3FB2] =	sst s9;
	s0 =	simm.s32 @!p0 $0x0  }
0x12: {  	s1 =	sld [smem:$0x3F98];
	s0 =	simm.s32 @p0 $0x1  }
0x13: {  	[smem:$0x3FB3] =	sst s0;
	s0 =	simm.s32 @!p1 $0x0  }
0x14: {  	s2 =	sld [smem:$0x3F97];
	s0 =	simm.s32 @p1 $0x1  }
0x15: {  	[smem:$0x3FB4] =	sst s0;
	s0 =	simm.s32 @!p2 $0x0  }
0x16: {  	s3 =	sld [smem:$0x3FDB];
	s0 =	simm.s32 @p2 $0x1  }
0x17: {  	s4 =	simm.s32 $0x1BF5;
	[smem:$0x3FB6] =	sst s0  }
0x18: {  	s0 =	sld [smem:$0x3F99];
	_ =	swait.ge [sflag:s4], $0x0  }
0x19: {  	s7 =	sld [smem:$0x3F9A]  }
0x1a: {  	s8 =	sadd.s32 $0xFFFFE003, lr  }
0x1b: {  	s9 =	sadd.s32 $0xFFFFFEF7, lr;
	s5 =	simm.s32 $0xFFFFFFFF;
	p2 =	slt.u32 s8, $0xFFFFF086  }
0x1c: {  	p1 =	slt.u32 s9, $0xF7A;
	s5 =	simm.s32 @!p2 $0x0  }
0x1d: {  	s5 =	simm.s32 @p1 $0x1;
	p0 =	seq.s32 s7, s2  }
0x1e: {  	s7 =	smul.u32 @!p0 $0xF7A, s2;
	p2 =	seq.s32 @!p0 s5, $0x0  }
0x1f: {  	s9 =	smul.u32 $0xF7A, s1;
	s8 =	simm.s32 @!p0 $0x1BF5;
	p2 =	por !p2, p0  }
0x20: {  	[sflag:s8] =	ssyncset.s32 @!p0 $0xFFFFF086;
	s6 =	sadd.s32 @!p0 s3, s7;
	s7 =	simm.s32 @!p0 $0x108  }
0x21: {  	s3 =	sadd.s32 s3, s9;
	s6 =	sadd.s32 @!p0 $0x88, s6;
	s7 =	simm.s32 @p2 $0x1082  }
0x22: {  	[simem:s7], [sflag:s8] =	dma.local @!p0 [hbm:s6], $0xF7A  }
0x23: {  	s9 =	sor.u32 $0xD0000000, s2;
	s6 =	simm.s32 $0x108;
	_ =	swait.ge @!p0 [sflag:s8], $0x0  }
0x24: {  	s3 =	sadd.s32 $0x88, s3;
	s6 =	simm.s32 @!p1 $0x1082;
	[sflag:s4] =	ssyncset.s32 $0xFFFFF086  }
0x25: {  	[simem:s6], [sflag:s4] =	dma.local [hbm:s3], $0xF7A  }
0x26: {  	[smem:$0x3F9A] =	sst s1;
	(tag) =	ssettag s2;
	_ =	strace s9  }
0x27: {  	s1 =	sld [smem:$0x3FAA]  }
0x28: {  	s2 =	sld [smem:$0x3FAB]  }
0x29: {  	s4 =	sld [smem:$0x3FAD]  }
0x2a: {  	p0 =	seq.s32 s5, $0x0;
	s5 =	sld [smem:$0x3FAE]  }
0x2b: {  	s6 =	sld [smem:$0x3FAF]  }
0x2c: {  	s7 =	sld [smem:$0x3FB0]  }
0x2d: {  	s3 =	simm.s32 $0x108;
	s8 =	sld [smem:$0x3FB1]  }
0x2e: {  	s3 =	simm.s32 @!p0 $0x1082;
	s9 =	sld [smem:$0x3FB2]  }
0x2f: {  	lr =	sadd.s32 s0, s3;
	s0 =	sld [smem:$0x3FA9]  }
0x30: {  	s3 =	sld [smem:$0x3FAC]  }
0x31: {  	[smem:$0x3FB5] =	sst s10  }
0x32: {  	s10 =	sld [smem:$0x3FB3];
	_ =	sdelay $0x3  }
0x33: {  	p0 =	seq.s32 s10, $0x1;
	s10 =	sld [smem:$0x3FB5];
	_ =	sdelay $0x3  }
0x34: {  	[smem:$0x3FB5] =	sst s10  }
0x35: {  	s10 =	sld [smem:$0x3FB4];
	_ =	sdelay $0x3  }
0x36: {  	p1 =	seq.s32 s10, $0x1;
	s10 =	sld [smem:$0x3FB5];
	_ =	sdelay $0x3  }
0x37: {  	[smem:$0x3FB5] =	sst s10  }
0x38: {  	s10 =	sld [smem:$0x3FB6]  }
0x39: {  	_ = 	snop;
	(pc) =	sbr.ind lr, $3  }
0x3a: {  	_ = 	snop  }
0x3b: {  	_ = 	snop  }
0x3c: {  	p2 =	seq.s32 s10, $0x1;
	s10 =	sld [smem:$0x3FB5]  }
0x3d: {  	_ =	shalt  }
0x3e: {  	_ =	shalt  }
0x3f: {  	_ =	shalt  }
0x40: {  	_ =	shalt  }
0x41: {  	_ =	shalt  }
0x42: {  	_ =	shalt  }
0x43: {  	_ =	shalt  }
0x44: {  	_ =	shalt  }
0x45: {  	_ =	shalt  }
0x46: {  	_ =	shalt  }
0x47: {  	_ =	shalt  }
0x48: {  	_ =	shalt  }
0x49: {  	_ =	shalt  }
0x4a: {  	_ =	shalt  }
0x4b: {  	_ =	shalt  }
0x4c: {  	_ =	shalt  }
0x4d: {  	_ =	shalt  }
0x4e: {  	_ =	shalt  }
0x4f: {  	_ =	shalt  }
0x50: {  	_ =	shalt  }
0x51: {  	_ =	shalt  }
0x52: {  	_ =	shalt  }
0x53: {  	_ =	shalt  }
0x54: {  	_ =	shalt  }
0x55: {  	_ =	shalt  }
0x56: {  	_ =	shalt  }
0x57: {  	_ =	shalt  }
0x58: {  	_ =	shalt  }
0x59: {  	_ =	shalt  }
0x5a: {  	_ =	shalt  }
0x5b: {  	_ =	shalt  }
0x5c: {  	_ =	shalt  }
0x5d: {  	_ =	shalt  }
0x5e: {  	_ =	shalt  }
0x5f: {  	_ =	shalt  }
0x60: {  	_ =	shalt  }
0x61: {  	_ =	shalt  }
0x62: {  	_ =	shalt  }
0x63: {  	_ =	shalt  }
0x64: {  	_ =	shalt  }
0x65: {  	_ =	shalt  }
0x66: {  	_ =	shalt  }
0x67: {  	_ =	shalt  }
0x68: {  	_ =	shalt  }
0x69: {  	_ =	shalt  }
0x6a: {  	_ =	shalt  }
0x6b: {  	_ =	shalt  }
0x6c: {  	_ =	shalt  }
0x6d: {  	_ =	shalt  }
0x6e: {  	_ =	shalt  }
0x6f: {  	_ =	shalt  }
0x70: {  	_ =	shalt  }
0x71: {  	_ =	shalt  }
0x72: {  	_ =	shalt  }
0x73: {  	_ =	shalt  }
0x74: {  	_ =	shalt  }
0x75: {  	_ =	shalt  }
0x76: {  	_ =	shalt  }
0x77: {  	_ =	shalt  }
0x78: {  	_ =	shalt  }
0x79: {  	_ =	shalt  }
0x7a: {  	_ =	shalt  }
0x7b: {  	_ =	shalt  }
0x7c: {  	_ =	shalt  }
0x7d: {  	_ =	shalt  }
0x7e: {  	_ =	shalt  }
0x7f: {  	_ =	shalt  }
0x80: {  	_ =	shalt  }
0x81: {  	_ =	shalt  }
0x82: {  	_ =	shalt  }
0x83: {  	_ =	shalt  }
0x84: {  	_ =	shalt  }
0x85: {  	_ =	shalt  }
0x86: {  	_ =	shalt  }
0x87: {  	_ =	shalt  }
.Lfunc_end0:
.L_simem_size_0:
called_computation_lowered:
.L_overlay_start_0:
0x88: {  	s2 =	sld [smem:$0x3FD9]  }
0x89: {  	s3 =	sld [smem:$0x3FFE];
	_ =	sdelay $0x1  }
0x8a: {  	s1 =	srdreg.scid  }
0x8b: {  	s0 =	sand.u32 $0x1, s1  }
0x8c: {  	s17 =	sshll.u32 s0, $0xA;
	s2 =	sadd.s32 s3, s2  }
0x8d: {  	s2 =	sadd.s32 s2, s17  }
0x8e: {  	[smem:$0x3FC1] =	sst s2  }
0x8f: {  	_ = 	snop  }
0x90: {  	s2 =	sld [smem:$0x3FD0];
	(tm) =	ssettm $0x1  }
0x91: {  	s18 =	sld [smem:$0x3FFB];
	_ =	sdelay $0x3  }
0x92: {  	_ =	strace s18  }
0x93: {  	s3 =	sld [smem:$0x3FFC];
	_ =	sdelay $0x3  }
0x94: {  	_ =	strace s3  }
0x95: {  	s3 =	sld [smem:$0x3FFD];
	_ =	sdelay $0x3  }
0x96: {  	_ =	strace s3  }
0x97: {  	_ =	strace $0x8FFFFFFF  }
0x98: {  	s19 =	sld [smem:$0x3FDB];
	_ =	sdelay $0x1  }
0x99: {  	s4 =	simm.s32 $_scs_section_size  }
0x9a: {  	s5 =	simm.s32 $_size__tile_overlayer_lowered;
	s6 =	simm.s32 $_tile_overlayer_lowered  }
0x9b: {  	s22 =	simm.s32 $0x1BFF;
	s21 =	sshll.u32 s6, $0x1;
	s3 =	sadd.s32 s4, s19  }
0x9c: {  	s7 =	simm.s32 $0x0;
	s20 =	sshll.u32 s5, $0x1;
	s5 =	sadd.s32 s21, s3  }
0x9d: {  	[timem:s7], [sflag:s22] =	dma.local [hbm:s5], s20  }
0x9e: {  	_ =	swait.ge [sflag:s22], s20  }
0x9f: {  	s4 =	ssub.s32 $0x0, s20;
	[sflag:s22] =	ssyncset.done $0x0  }
0xa0: {  	[sflag:s22] =	ssyncadd.s32 s4;
	_ =	sdelay $0x1  }
0xa1: {  	s23 =	simm.s32 $0x1B8B  }
0xa2: {  	_ =	swait.ge [sflag:s23], $0x1  }
0xa3: {  	[sflag:s23] =	ssyncset.done $0x0  }
0xa4: {  	s25 =	simm.s32 $0x1B8E;
	s24 =	sld [smem:$0x3FFE];
	[sflag:s23] =	ssyncadd.s32 $0xFFFFFFFF  }
0xa5: {  	s26 =	simm.s32 $execute0_lowered;
	[smem:$0x3FD2] =	sst s25  }
0xa6: {  	s5 =	sshll.u32 s26, $0x1;
	_ =	strace $0x80000046;
	[dreg:$0x1] =	wrdreg $0xFFFFFFFF  }
0xa7: {  	s28 =	simm.s32 $_size_execute0_lowered;
	s3 =	sadd.s32 s3, s5;
	[dreg:$0x0] =	wrdreg $0x0  }
0xa8: {  	s5 =	sshll.u32 s28, $0x1;
	[dreg:$0x2] =	wrdreg s3  }
0xa9: {  	[dreg:$0x3] =	wrdreg s5  }
0xaa: {  	[dreg:$0x4] =	wrdreg $0xC0  }
0xab: {  	_ =	task [dreg:s7], $0x5FFFF  }
0xac: {  	[dreg:$0x1] =	wrdreg $0xFFFFFFFF  }
0xad: {  	[dreg:$0x0] =	wrdreg $0x60  }
0xae: {  	[dreg:$0x2] =	wrdreg s24  }
0xaf: {  	[dreg:$0x3] =	wrdreg s2  }
0xb0: {  	[dreg:$0x4] =	wrdreg $0x9  }
0xb1: {  	_ =	task.clear_ibuf [dreg:s7], $0x5FFFF;
	_ =	strace $0x90000046  }
0xb2: {  	s29 =	simm.s32 $0x9;
	_ =	strace $0x80000048  }
0xb3: {  	_ =	swait.ge [sflag:s29], $0x1  }
0xb4: {  	[sflag:s29] =	ssyncadd.s32 $0xFFFFFFFF  }
0xb5: {  	_ =	strace $0x90000048  }
0xb6: {  	_ =	sfence  }
0xb7: {  	s30 =	sld [smem:$0x0];
	_ =	sdelay $0x2  }
0xb8: {  	s31 =	sshll.u32 s1, $0xD;
	s1 =	sshrl.u32 s1, $0x2  }
0xb9: {  	s3 =	sand.u32 $0x4000, s31;
	s1 =	sadd.s32 s1, s30  }
0xba: {  	s0 =	sor.u32 s3, s0;
	s1 =	sshll.u32 s1, $0x11  }
0xbb: {  	s0 =	sor.u32 s1, s0  }
0xbc: {  	s0 =	sadd.s32 $0x8F2B, s0  }
0xbd: {  	[sflag:s0] =	ssyncadd.remote.s32 $0x1  }
0xbe: {  	_ =	sfence.sel $0xFFFF  }
0xbf: {  	[dreg:$0x0] =	wrdreg $0xFFFFFFFF;
	(pc) =	sbr.abs _section_cstart, $3  }
0xc0: {  	[dreg:$0x1] =	wrdreg $0xFFFFFFFF  }
0xc1: {  	_ =	task.clear_ibuf [dreg:s7], $0x2FFFF;
	_ =	strace $0x9FFFFFFF  }
0xc2: {  	(tm) =	ssettm $0x7FFFFFFF  }
0xc3: {  	_ =	shalt  }
tec
execute0_lowered:
.L_overlay_start_1:
0x0: {  	(tag) =	ssettag $0x1  }
0x1: {  	s1 =	srdreg.scid;
	s5 =	rddreg [dreg:$0x0]  }
0x2: {  	s0 =	stileid.u32;
	s2 =	rddreg [dreg:$0x1]  }
0x3: {  	s3 =	simm.s32 $0x0;
	s10 =	simm.s32 $0x7;
	s11 =	simm.s32 $0x8  }
0x4: {  	s12 =	simm.s32 $0x9;
	s13 =	simm.s32 $0xA;
	s14 =	simm.s32 $0x0  }
0x5: {  	s4 =	sand.u32 $0x1, s1;
	s1 =	rddreg [dreg:$0x2];
	s7 =	smul.u32 $0x640000, s0  }
0x6: {  	s30 =	sshll.u32 s0, $0x1;
	[smem:$0x7FF] =	sst s3;
	s9 =	smul.u32 $0x320000, s4  }
.Ltmp0:
0x7: {  	s6 =	sor.u32 s4, s30;
	_ =	strace $0x80000047;
	(pc) =	sbr.rel .LBB2_1-.Ltmp0, $4  }
0x8: {  	s8 =	ssub.s32 $0x2, s4;
	s4 =	sadd.s32 $0x1B600, s5;
	s6 =	smul.u32 $0xC80, s6  }
0x9: {  	s31 =	sshrl.u32 s8, $0x1;
	s7 =	sadd.s32 s9, s7;
	s9 =	simm.s32 $0x6  }
0xa: {  	s5 =	sadd.s32 s6, s5;
	s6 =	ssub.s32 s8, s31;
	s7 =	sadd.s32 $0xFFFF0000, s7  }
0xb: {  	s8 =	simm.s32 $0xB;
	s5 =	sadd.s32 $0x2600, s5;
	s6 =	smax.u32 s6, $0x1  }
.LBB2_6:
0xc: {  	_ =	swait.ge [sflag:s9], $0x4000  }
0xd: {  	[sflag:s9] =	ssyncset.done $0x0  }
0xe: {  	[sflag:s9] =	ssyncadd.s32 $0xFFFFC000  }
0xf: {  	_ =	swait.ge [sflag:s10], $0x4000  }
0x10: {  	[sflag:s10] =	ssyncset.done $0x0  }
0x11: {  	[sflag:s10] =	ssyncadd.s32 $0xFFFFC000  }
0x12: {  	_ =	swait.ge [sflag:s11], $0x4000  }
0x13: {  	[sflag:s11] =	ssyncset.done $0x0  }
0x14: {  	s14 =	sadd.s32 $0x1, s14;
	[sflag:s11] =	ssyncadd.s32 $0xFFFFC000  }
0x15: {  	p0 =	sne.s32 s14, s6;
	_ =	swait.ge [sflag:s12], $0x4000  }
.Ltmp1:
0x16: {  	[sflag:s12] =	ssyncset.done $0x0;
	(pc) =	sbr.rel @!p0 .LBB2_7-.Ltmp1, $4  }
0x17: {  	[sflag:s12] =	ssyncadd.s32 $0xFFFFC000  }
0x18: {  	_ =	swait.ge [sflag:s13], $0x4000  }
0x19: {  	[sflag:s13] =	ssyncset.done $0x0  }
0x1a: {  	[sflag:s13] =	ssyncadd.s32 $0xFFFFC000  }
.LBB2_1:
.Ltmp2:
0x1b: {  	(pc) =	sbr.rel .LBB2_2-.Ltmp2, $4  }
0x1c: {  	[tilespmem:s3], [sflag:$0xB] =	stream.linear.gather [hbm4b:s5+s3], $0x6400, $0x38;
	[tilespmem:$0x1A400] =	vst v63  }
0x1d: {  	_ =	swait.ge [sflag:s8], $0x6400  }
0x1e: {  	s15 =	smov.u32 s7;
	[sflag:s8] =	ssyncset.done $0x0  }
0x1f: {  	s16 =	simm.s32 $0x0;
	s17 =	simm.s32 $0x0;
	[sflag:s8] =	ssyncadd.s32 $0xFFFF9C00  }
.LBB2_4:
0x20: {  	s18 =	sadd.s32 $0xFFFFFFFC, s17  }
0x21: {  	s19 =	sand.u32 $0xFF, s18  }
0x22: {  	s19 =	smul.u32 $0xCD, s19;
	_ =	sdelay $0x1  }
0x23: {  	s19 =	sshrl.u32 s19, $0xA  }
0x24: {  	s19 =	smul.u32 $0x5, s19;
	_ =	sdelay $0x1  }
0x25: {  	s18 =	ssub.s32 s18, s19  }
0x26: {  	s18 =	sand.u32 $0xFF, s18  }
0x27: {  	p0 =	sgt.s32 s18, $0x1  }
0x28: {  	p1 =	seq.s32 @p0 s18, $0x2  }
0x29: {  	p2 =	por !p1, !p0  }
0x2a: {  	s19 =	simm.s32 @!p2 $0x3  }
0x2b: {  	s20 =	sshrl.u32 s15, $0x3;
	_ =	swait.ge @!p2 [sflag:s19], $0x4000  }
0x2c: {  	s20 =	sadd.s32 s2, s20;
	[sflag:s19] =	ssyncset.done @!p2 $0x0  }
0x2d: {  	s21 =	simm.s32 @!p2 $0xE400;
	[sflag:s19] =	ssyncadd.s32 @!p2 $0xFFFFC000;
	s19 =	simm.s32 @!p2 $0x0  }
0x2e: {  	[hbm4b:s20+s19] =	stream.linear.scatter @!p2 [tilespmem:s21], [sflag:$0x8], $0x4000, $0x38;
	[tilespmem:$0x1A400] =	vst v63  }
0x2f: {  	p2 =	por p1, !p0  }
0x30: {  	p2 =	seq.s32 @!p2 s18, $0x3  }
0x31: {  	p3 =	por @p0 !p2, p1  }
0x32: {  	p3 =	por p3, !p0  }
0x33: {  	s19 =	simm.s32 @!p3 $0x4  }
0x34: {  	p1 =	por @p0 p2, p1;
	_ =	swait.ge @!p3 [sflag:s19], $0x4000  }
0x35: {  	p1 =	por p1, !p0;
	[sflag:s19] =	ssyncset.done @!p3 $0x0  }
0x36: {  	s21 =	simm.s32 @!p3 $0x12400;
	[sflag:s19] =	ssyncadd.s32 @!p3 $0xFFFFC000;
	s19 =	simm.s32 @!p3 $0x0  }
0x37: {  	[hbm4b:s20+s19] =	stream.linear.scatter @!p3 [tilespmem:s21], [sflag:$0x9], $0x4000, $0x38;
	[tilespmem:$0x1A400] =	vst v63  }
0x38: {  	s19 =	simm.s32 @!p1 $0x5  }
0x39: {  	_ =	swait.ge @!p1 [sflag:s19], $0x4000  }
0x3a: {  	[sflag:s19] =	ssyncset.done @!p1 $0x0  }
0x3b: {  	s21 =	simm.s32 @!p1 $0x16400;
	[sflag:s19] =	ssyncadd.s32 @!p1 $0xFFFFC000;
	s19 =	simm.s32 @!p1 $0x0  }
0x3c: {  	[hbm4b:s20+s19] =	stream.linear.scatter @!p1 [tilespmem:s21], [sflag:$0xA], $0x4000, $0x38;
	[tilespmem:$0x1A400] =	vst v63  }
0x3d: {  	p1 =	seq.s32 @!p0 s18, $0x0  }
0x3e: {  	p2 =	por !p1, p0  }
0x3f: {  	s18 =	simm.s32 @!p2 $0x1  }
0x40: {  	_ =	swait.ge @!p2 [sflag:s18], $0x4000  }
0x41: {  	p0 =	por p1, p0;
	[sflag:s18] =	ssyncset.done @!p2 $0x0  }
0x42: {  	s19 =	simm.s32 @!p2 $0x6400;
	[sflag:s18] =	ssyncadd.s32 @!p2 $0xFFFFC000;
	s18 =	simm.s32 @!p2 $0x0  }
0x43: {  	[hbm4b:s20+s18] =	stream.linear.scatter @!p2 [tilespmem:s19], [sflag:$0x6], $0x4000, $0x38;
	[tilespmem:$0x1A400] =	vst v63  }
0x44: {  	s18 =	simm.s32 @!p0 $0x2  }
0x45: {  	_ =	swait.ge @!p0 [sflag:s18], $0x4000  }
0x46: {  	[sflag:s18] =	ssyncset.done @!p0 $0x0  }
0x47: {  	s19 =	simm.s32 @!p0 $0xA400;
	[sflag:s18] =	ssyncadd.s32 @!p0 $0xFFFFC000;
	s18 =	simm.s32 @!p0 $0x0  }
0x48: {  	[hbm4b:s20+s18] =	stream.linear.scatter @!p0 [tilespmem:s19], [sflag:$0x7], $0x4000, $0x38;
	[tilespmem:$0x1A400] =	vst v63  }
.LBB2_5:
0x49: {  	s17 =	sadd.s32 $0x1, s17  }
0x4a: {  	p0 =	sne.s32 s17, $0xCC  }
.Ltmp3:
0x4b: {  	_ = 	snop;
	(pc) =	sbr.rel @!p0 .LBB2_6-.Ltmp3, $2  }
0x4c: {  	_ =	sdelay $0x2  }
0x4d: {  	s16 =	sadd.s32 $0x80, s16;
	s15 =	sadd.s32 $0x4000, s15  }
.LBB2_2:
0x4e: {  	p0 =	sgt.u32 s17, $0xC7  }
.Ltmp4:
0x4f: {  	_ = 	snop;
	(pc) =	sbr.rel @p0 .LBB2_4-.Ltmp4, $1  }
0x50: {  	_ =	sdelay $0x3  }
0x51: {  	s18 =	smul.u32 $0xCD, s17;
	_ =	sdelay $0x1  }
0x52: {  	s18 =	sshrl.u32 s18, $0xA  }
0x53: {  	s18 =	sand.u32 $0x3F, s18  }
0x54: {  	s18 =	smul.u32 $0x5, s18;
	_ =	sdelay $0x1  }
0x55: {  	s18 =	ssub.s32 s17, s18  }
0x56: {  	s18 =	sand.u32 $0xFF, s18  }
0x57: {  	p0 =	sgt.s32 s18, $0x1  }
0x58: {  	p1 =	seq.s32 @p0 s18, $0x2  }
0x59: {  	p2 =	por !p1, !p0  }
0x5a: {  	p3 =	slt.u32 @!p2 s17, $0x5  }
0x5b: {  	p3 =	por @p0 p3, !p1  }
0x5c: {  	p3 =	por p3, !p0  }
0x5d: {  	s19 =	simm.s32 @!p3 $0x8  }
0x5e: {  	_ =	swait.ge @!p3 [sflag:s19], $0x4000  }
0x5f: {  	[sflag:s19] =	ssyncset.done @!p3 $0x0  }
0x60: {  	s20 =	simm.s32 @!p2 $0xE400;
	[sflag:s19] =	ssyncadd.s32 @!p3 $0xFFFFC000;
	s19 =	simm.s32 @!p2 $0x80  }
0x61: {  	[tilespmem:s20], [sflag:$0x3] =	stream.indirect.gather @!p2 [hbm4b:s4+s19], $0x80, s16, s19, $0xb8;
	[tilespmem:$0x1A400] =	vst v63  }
0x62: {  	p2 =	por p1, !p0  }
0x63: {  	p3 =	seq.s32 @!p2 s18, $0x3  }
0x64: {  	p4 =	por @p0 !p3, p1  }
0x65: {  	p4 =	por p4, !p0  }
0x66: {  	p5 =	slt.u32 @!p4 s17, $0x5  }
0x67: {  	p5 =	por @!p2 p5, !p3  }
0x68: {  	p5 =	por @p0 p5, p1  }
0x69: {  	p5 =	por p5, !p0  }
0x6a: {  	s19 =	simm.s32 @!p5 $0x9  }
0x6b: {  	_ =	swait.ge @!p5 [sflag:s19], $0x4000  }
0x6c: {  	[sflag:s19] =	ssyncset.done @!p5 $0x0  }
0x6d: {  	s20 =	simm.s32 @!p4 $0x12400;
	[sflag:s19] =	ssyncadd.s32 @!p5 $0xFFFFC000;
	s19 =	simm.s32 @!p4 $0x80  }
0x6e: {  	[tilespmem:s20], [sflag:$0x4] =	stream.indirect.gather @!p4 [hbm4b:s4+s19], $0x80, s16, s19, $0xb8;
	[tilespmem:$0x1A400] =	vst v63  }
0x6f: {  	p4 =	por @p0 p3, p1  }
0x70: {  	p4 =	por p4, !p0  }
0x71: {  	p5 =	slt.u32 @!p4 s17, $0x5  }
0x72: {  	p2 =	por @!p2 p5, p3  }
0x73: {  	p1 =	por @p0 p2, p1  }
0x74: {  	p1 =	por p1, !p0  }
0x75: {  	s19 =	simm.s32 @!p1 $0xA  }
0x76: {  	_ =	swait.ge @!p1 [sflag:s19], $0x4000  }
0x77: {  	s20 =	simm.s32 @!p4 $0x16400;
	[sflag:s19] =	ssyncset.done @!p1 $0x0  }
0x78: {  	[sflag:s19] =	ssyncadd.s32 @!p1 $0xFFFFC000;
	s19 =	simm.s32 @!p4 $0x80;
	p1 =	seq.s32 @!p0 s18, $0x0  }
0x79: {  	[tilespmem:s20], [sflag:$0x5] =	stream.indirect.gather @!p4 [hbm4b:s4+s19], $0x80, s16, s19, $0xb8;
	[tilespmem:$0x1A400] =	vst v63  }
0x7a: {  	p2 =	por !p1, p0  }
0x7b: {  	p3 =	slt.u32 @!p2 s17, $0x5  }
0x7c: {  	p3 =	por @!p0 p3, !p1  }
0x7d: {  	p3 =	por p3, p0  }
0x7e: {  	s18 =	simm.s32 @!p3 $0x6  }
0x7f: {  	_ =	swait.ge @!p3 [sflag:s18], $0x4000  }
0x80: {  	[sflag:s18] =	ssyncset.done @!p3 $0x0  }
0x81: {  	s19 =	simm.s32 @!p2 $0x6400;
	[sflag:s18] =	ssyncadd.s32 @!p3 $0xFFFFC000;
	s18 =	simm.s32 @!p2 $0x80  }
0x82: {  	[tilespmem:s19], [sflag:$0x1] =	stream.indirect.gather @!p2 [hbm4b:s4+s18], $0x80, s16, s18, $0xb8;
	[tilespmem:$0x1A400] =	vst v63  }
0x83: {  	p2 =	por p1, p0  }
0x84: {  	p3 =	slt.u32 @!p2 s17, $0x5  }
0x85: {  	p1 =	por @!p0 p3, p1  }
0x86: {  	p0 =	por p1, p0  }
0x87: {  	s18 =	simm.s32 @!p0 $0x7  }
0x88: {  	_ =	swait.ge @!p0 [sflag:s18], $0x4000  }
0x89: {  	[sflag:s18] =	ssyncset.done @!p0 $0x0  }
0x8a: {  	[sflag:s18] =	ssyncadd.s32 @!p0 $0xFFFFC000;
	p0 =	slt.u32 s17, $0x4  }
.Ltmp5:
0x8b: {  	_ = 	snop;
	(pc) =	sbr.rel @p0 .LBB2_5-.Ltmp5, $4  }
.Ltmp6:
0x8c: {  	_ = 	snop;
	(pc) =	sbr.rel @!p0 .LBB2_4-.Ltmp6, $4  }
0x8d: {  	_ = 	snop  }
0x8e: {  	s19 =	simm.s32 @!p2 $0xA400;
	s18 =	simm.s32 @!p2 $0x80  }
0x8f: {  	[tilespmem:s19], [sflag:$0x2] =	stream.indirect.gather @!p2 [hbm4b:s4+s18], $0x80, s16, s18, $0xb8;
	[tilespmem:$0x1A400] =	vst v63  }
0x90: {  	_ = 	snop  }
.LBB2_7:
0x91: {  	_ =	sfence.sel $0x180000  }
0x92: {  	[bflag:$0x0] =	sbarrier.arrive $0xFFFF  }
0x93: {  	p0 =	sne.s32 s0, $0x0;
	_ =	strace $0x90000047  }
0x94: {  	s0 =	sadd.s32 @!p0 $0x100000, s1;
	[bflag:$0x2] =	sbarrier.arrive $0xFFFF  }
0x95: {  	[sflag:s0] =	ssyncadd.tile.s32 @!p0 $0x1;
	_ =	shalt  }
.Lfunc_end2:
_tile_overlayer_lowered:
.L_overlay_start_2:
0x96: {  	(tag) =	ssettag $0x2  }
0x97: {  	s0 =	rddreg [dreg:$0x0];
	s2 =	stileid.u32  }
0x98: {  	s1 =	rddreg [dreg:$0x1];
	p0 =	sne.s32 s2, $0x0  }
0x99: {  	s3 =	rddreg [dreg:$0x2];
	[bflag:$0x3] =	sbarrier.arrive $0xFFFF;
	s2 =	simm.s32 @!p0 $0x1C0B  }
0x9a: {  	[timem:s3], [sflag:s2] =	dma.local @!p0 [hbm:s0], s1  }
0x9b: {  	s0 =	simm.s32 @!p0 $0xB  }
0x9c: {  	_ =	swait.ge @!p0 [sflag:s0], s1  }
0x9d: {  	s1 =	ssub.s32 @!p0 $0x0, s1;
	[sflag:s0] =	ssyncset.done @!p0 $0x0  }
0x9e: {  	[sflag:s0] =	ssyncadd.s32 @!p0 s1  }
0x9f: {  	[bflag:$0x3] =	sbarrier.arrive $0xFFFF  }
0xa0: {  	_ =	shalt  }

</sc_bundles>
